<compile_context>
chip_gen: v7x
topology: tpu7x:2x2x1
jax: 0.10.2.dev20260603
libtpu: 0.0.44.dev20260713+nightly
codegen_flags: <defaults>
</compile_context>

<pallas_src>
import functools

import jax
import jax.numpy as jnp
from jax import lax
from jax.experimental import pallas as pl
from jax.experimental.pallas import tpu as pltpu
from jax.experimental.pallas import tpu_sc as plsc

N = 10000
E = 320000
D = 128
NP = 10112

NC = 2
NS = 16
NW = NC * NS
CHUNK = 128
NCHUNKS = E // CHUNK
BASE_CH = NCHUNKS // NW
EXTRA_CH = NCHUNKS - BASE_CH * NW
RPT = NP // NS
ZROWS = 104


def _sc_agg_body(x_hbm, ei_hbm, agg_out,
                 src_v, dst_v, rows_v, zagg_v, agg_sh, gsem0, gsem1):
    c = lax.axis_index("c")
    s = lax.axis_index("s")
    wid = c * NS + s
    zeros16 = jnp.zeros((16,), jnp.float32)
    gsems = (gsem0, gsem1)

    def zfill_agg(i, carry):
        zagg_v[i // 8, pl.ds((i % 8) * 16, 16)] = zeros16
        return carry
    lax.fori_loop(0, ZROWS * 8, zfill_agg, 0)

    row0 = pl.multiple_of(s * RPT, 8)
    for k in range(6):
        pltpu.sync_copy(zagg_v, agg_sh.at[pl.ds(row0 + k * ZROWS, ZROWS)])
    pltpu.sync_copy(zagg_v.at[pl.ds(0, 8)], agg_sh.at[pl.ds(row0 + 6 * ZROWS, 8)])
    plsc.subcore_barrier()

    def e_of(j):
        return pl.multiple_of((wid + j * NW) * CHUNK, CHUNK)

    def load_and_gather(b, j):
        e0 = e_of(j)
        pltpu.sync_copy(ei_hbm.at[0, pl.ds(e0, CHUNK)], src_v.at[b])
        pltpu.sync_copy(ei_hbm.at[1, pl.ds(e0, CHUNK)], dst_v.at[b])
        pltpu.async_copy(x_hbm.at[src_v.at[b]], rows_v.at[b], gsems[b])

    def wait_gather(b):
        pltpu.make_async_copy(x_hbm.at[src_v.at[b]], rows_v.at[b],
                              gsems[b]).wait()

    def scatter(b):
        pltpu.sync_copy(rows_v.at[b], agg_sh.at[dst_v.at[b]], add=True)

    nch = BASE_CH + 1

    load_and_gather(0, 0)
    load_and_gather(1, 1)

    def body(j2, carry):
        for b in range(2):
            j = j2 * 2 + b
            wait_gather(b)
            scatter(b)

            @pl.when(j + 2 < nch - 1 + jnp.where(wid < EXTRA_CH, 1, 0))
            def _next():
                load_and_gather(b, j + 2)
        return carry
    lax.fori_loop(0, BASE_CH // 2, body, 0)

    @pl.when(wid < EXTRA_CH)
    def _extra():
        wait_gather(0)
        scatter(0)

    plsc.subcore_barrier()
    pltpu.sync_copy(agg_sh.at[pl.ds(row0, RPT)], agg_out.at[c, pl.ds(row0, RPT)])


_sc_agg = functools.partial(
    pl.kernel,
    mesh=plsc.VectorSubcoreMesh(core_axis_name="c", subcore_axis_name="s"),
    out_type=[jax.ShapeDtypeStruct((NC, NP, D), jnp.float32)],
    scratch_types=[
        pltpu.VMEM((2, CHUNK), jnp.int32),
        pltpu.VMEM((2, CHUNK), jnp.int32),
        pltpu.VMEM((2, CHUNK, D), jnp.float32),
        pltpu.VMEM((ZROWS, D), jnp.float32),
        pltpu.VMEM_SHARED((NP, D), jnp.float32),
        pltpu.SemaphoreType.DMA,
        pltpu.SemaphoreType.DMA,
    ],
)(_sc_agg_body)


def _sc_cnt_body(ei_hbm, cnt_out,
                 dst_v, ones_v, cnt_sh, isem0, isem1):
    c = lax.axis_index("c")
    s = lax.axis_index("s")
    wid = c * NS + s
    zeros16 = jnp.zeros((16,), jnp.float32)
    ones16 = jnp.ones((16,), jnp.float32)

    def zfill(i, carry):
        ones_v[i // 8, pl.ds((i % 8) * 16, 16)] = zeros16
        return carry
    lax.fori_loop(0, ZROWS * 8, zfill, 0)

    row0 = pl.multiple_of(s * RPT, 8)
    for k in range(6):
        pltpu.sync_copy(ones_v.at[pl.ds(0, ZROWS)],
                        cnt_sh.at[pl.ds(row0 + k * ZROWS, ZROWS)])
    pltpu.sync_copy(ones_v.at[pl.ds(0, 8)],
                    cnt_sh.at[pl.ds(row0 + 6 * ZROWS, 8)])

    def ofill(i, carry):
        ones_v[i // 8, pl.ds((i % 8) * 16, 16)] = ones16
        return carry
    lax.fori_loop(0, CHUNK * 8, ofill, 0)
    plsc.subcore_barrier()

    isems = (isem0, isem1)

    def e_of(j):
        return pl.multiple_of((wid + j * NW) * CHUNK, CHUNK)

    def load_idx(b, j):
        pltpu.async_copy(ei_hbm.at[1, pl.ds(e_of(j), CHUNK)], dst_v.at[b],
                         isems[b])

    def wait_idx(b, j):
        pltpu.make_async_copy(ei_hbm.at[1, pl.ds(e_of(j), CHUNK)],
                              dst_v.at[b], isems[b]).wait()

    load_idx(0, 0)
    load_idx(1, 1)

    def body(j2, carry):
        for b in range(2):
            j = j2 * 2 + b
            wait_idx(b, j)
            pltpu.sync_copy(ones_v, cnt_sh.at[dst_v.at[b]], add=True)

            @pl.when(j + 2 < BASE_CH + jnp.where(wid < EXTRA_CH, 1, 0))
            def _next():
                load_idx(b, j + 2)
        return carry
    lax.fori_loop(0, BASE_CH // 2, body, 0)

    @pl.when(wid < EXTRA_CH)
    def _extra():
        wait_idx(0, BASE_CH)
        pltpu.sync_copy(ones_v, cnt_sh.at[dst_v.at[0]], add=True)

    plsc.subcore_barrier()
    pltpu.sync_copy(cnt_sh.at[pl.ds(row0, RPT)], cnt_out.at[c, pl.ds(row0, RPT)])


_sc_cnt = functools.partial(
    pl.kernel,
    mesh=plsc.VectorSubcoreMesh(core_axis_name="c", subcore_axis_name="s"),
    out_type=[jax.ShapeDtypeStruct((NC, NP, D), jnp.float32)],
    scratch_types=[
        pltpu.VMEM((2, CHUNK), jnp.int32),
        pltpu.VMEM((CHUNK, D), jnp.float32),
        pltpu.VMEM_SHARED((NP, D), jnp.float32),
        pltpu.SemaphoreType.DMA,
        pltpu.SemaphoreType.DMA,
    ],
)(_sc_cnt_body)


def _tc_root_body(x_ref, wr_ref, b_ref, o_ref):
    o_ref[...] = (
        jnp.dot(x_ref[...], wr_ref[...], preferred_element_type=jnp.float32)
        + b_ref[...]
    )


def _tc_rel_body(root_ref, wl_ref, agg_ref, cnt_ref, o_ref):
    agg = agg_ref[0] + agg_ref[1]
    mean = agg / jnp.maximum(cnt_ref[...], 1.0)
    o_ref[...] = root_ref[...] + jnp.dot(
        mean, wl_ref[...], preferred_element_type=jnp.float32)


_ROWS = 1000
_GRID = N // _ROWS

_tc_root = pl.pallas_call(
    _tc_root_body,
    grid=(_GRID,),
    in_specs=[
        pl.BlockSpec((_ROWS, D), lambda i: (i, 0)),
        pl.BlockSpec((D, D), lambda i: (0, 0)),
        pl.BlockSpec((1, D), lambda i: (0, 0)),
    ],
    out_specs=pl.BlockSpec((_ROWS, D), lambda i: (i, 0)),
    out_shape=jax.ShapeDtypeStruct((N, D), jnp.float32),
)

_tc_rel = pl.pallas_call(
    _tc_rel_body,
    grid=(_GRID,),
    in_specs=[
        pl.BlockSpec((_ROWS, D), lambda i: (i, 0)),
        pl.BlockSpec((D, D), lambda i: (0, 0)),
        pl.BlockSpec((NC, _ROWS, D), lambda i: (0, i, 0)),
        pl.BlockSpec((_ROWS, 1), lambda i: (i, 0)),
    ],
    out_specs=pl.BlockSpec((_ROWS, D), lambda i: (i, 0)),
    out_shape=jax.ShapeDtypeStruct((N, D), jnp.float32),
)


def kernel(x, edge_index, W_root, b_root, W_rel):
    ei = edge_index.astype(jnp.int32)
    root = _tc_root(x, W_root.T, b_root.reshape(1, D))
    (agg_part,) = _sc_agg(x, ei)
    (cnt_part,) = _sc_cnt(ei)
    cnt_col = (cnt_part[0, :N, 0] + cnt_part[1, :N, 0])[:, None]
    return _tc_rel(root, W_rel.T, agg_part[:, :N], cnt_col)

# --- scband reference (transcript-rebuilt; emitter-appended) ---
"""Pipeline reference for scband-rgcnconv-65687229825994 (READ-ONLY COPY).

The authoritative reference and input builder live on the scoring server;
editing this copy changes nothing except your own understanding.
"""

import jax, jax.numpy as jnp
import numpy as np

N = 10000
E = 320000
D = 128

def setup_inputs(seed: int = 0) -> dict:
    key = jax.random.key(seed)
    k1, k2, k3, k4 = jax.random.split(key, 4)
    x = jax.random.normal(k1, (N, D), dtype=jnp.float32)
    edge_index = jax.random.randint(k2, (2, E), 0, N)
    # learned parameters per init_kwargs: single node type '0', single edge type ('0','to','0')
    bound_root = 1.0 / np.sqrt(D)
    W_root = jax.random.uniform(k3, (D, D), minval=-bound_root, maxval=bound_root, dtype=jnp.float32)
    b_root = jnp.zeros((D,), dtype=jnp.float32)
    W_rel = jax.random.uniform(k4, (D, D), minval=-bound_root, maxval=bound_root, dtype=jnp.float32)
    return {"x": x, "edge_index": edge_index, "W_root": W_root, "b_root": b_root, "W_rel": W_rel}

def reference(x, edge_index, W_root, b_root, W_rel):
    # out_dict[key] = root_lins[key](x)
    out = x @ W_root.T + b_root
    # adj_t.matmul(x, reduce='mean'): mean of source-node features over incoming edges per dst node
    src = edge_index[0]
    dst = edge_index[1]
    msg = jnp.take(x, src, axis=0)                      # gather [E, D]
    agg = jax.ops.segment_sum(msg, dst, num_segments=N) # scatter-add [N, D]
    cnt = jax.ops.segment_sum(jnp.ones((msg.shape[0],), dtype=jnp.float32), dst, num_segments=N)
    mean = agg / jnp.clip(cnt, 1.0)[:, None]
    # out_dict[dst_type].add_(rel_lins[key](mean))
    out = out + mean @ W_rel.T
    return out

if __name__ == "__main__":
    import jax
    _d = setup_inputs()
    print(jax.jit(kernel)(*tuple(_d.values())))

</pallas_src>

<mosaic_0001>
#map = affine_map<(d0, d1) -> (0, 0)>
#map1 = affine_map<(d0, d1) -> (0, 0, 0)>
module attributes {stable_mosaic.version = 14 : i64} {
  func.func @_sc_cnt_body(%arg0: i32, %arg1: i32, %arg2: memref<2x320000xi32, #tpu.memory_space<hbm>>, %arg3: memref<2x10112x128xf32, #tpu.memory_space<hbm>>, %arg4: memref<2x128xi32, #tpu.memory_space<vmem>>, %arg5: memref<128x128xf32, #tpu.memory_space<vmem>>, %arg6: memref<10112x128xf32, #tpu.memory_space<vmem_shared>>, %arg7: memref<!tpu.dma_semaphore, #tpu.memory_space<semaphore_mem>>, %arg8: memref<!tpu.dma_semaphore, #tpu.memory_space<semaphore_mem>>) attributes {dimension_semantics = [#tpu.dimension_semantics<core_parallel>, #tpu.dimension_semantics<subcore_parallel>], iteration_bounds = array<i64: 2, 16>, scalar_prefetch = 0 : i64, scratch_operands = 5 : i64, tpu.core_type = #tpu.core_type<sc_vector_subcore>, window_params = [{transform_indices = #map}, {transform_indices = #map1}]} {
    %mul3A = arith.constant 16 : i32
    %mul3A_0 = arith.muli %arg0, %mul3A : i32
    %add3A = arith.addi %mul3A_0, %arg1 : i32
    %broadcast_in_dim3A = arith.constant 0.000000e+00 : f32
    %broadcast_in_dim3A_1 = vector.broadcast %broadcast_in_dim3A : f32 to vector<16xf32>
    %broadcast_in_dim3A_2 = arith.constant 1.000000e+00 : f32
    %broadcast_in_dim3A_3 = vector.broadcast %broadcast_in_dim3A_2 : f32 to vector<16xf32>
    %scan3A = arith.constant 0 : i32
    %scan3A_4 = arith.constant 0 : i32
    %scan3A_5 = arith.constant 832 : i32
    %scan3A_6 = arith.addi %scan3A_4, %scan3A_5 : i32
    %scan3A_7 = arith.constant 1 : i32
    scf.for %scan3A_73 = %scan3A_4 to %scan3A_6 step %scan3A_7  : i32 {
      %jit3A = arith.constant 8 : i32
      %div3A = arith.divsi %scan3A_73, %jit3A : i32
      %sign3A = arith.constant 0 : i32
      %sign3A_74 = arith.cmpi sgt, %scan3A_73, %sign3A : i32
      %sign3A_75 = arith.extui %sign3A_74 : i1 to i32
      %sign3A_76 = arith.constant 0 : i32
      %sign3A_77 = arith.cmpi slt, %scan3A_73, %sign3A_76 : i32
      %sign3A_78 = arith.extui %sign3A_77 : i1 to i32
      %sign3A_79 = arith.subi %sign3A_75, %sign3A_78 : i32
      %sign3A_80 = arith.constant 0 : i32
      %sign3A_81 = arith.cmpi sgt, %jit3A, %sign3A_80 : i32
      %sign3A_82 = arith.extui %sign3A_81 : i1 to i32
      %sign3A_83 = arith.constant 0 : i32
      %sign3A_84 = arith.cmpi slt, %jit3A, %sign3A_83 : i32
      %sign3A_85 = arith.extui %sign3A_84 : i1 to i32
      %sign3A_86 = arith.subi %sign3A_82, %sign3A_85 : i32
      %ne3A = arith.cmpi ne, %sign3A_79, %sign3A_86 : i32
      %rem3A = arith.remsi %scan3A_73, %jit3A : i32
      %ne3A_87 = arith.constant 0 : i32
      %ne3A_88 = arith.cmpi ne, %rem3A, %ne3A_87 : i32
      %and3A = arith.andi %ne3A, %ne3A_88 : i1
      %sub3A = arith.constant 1 : i32
      %sub3A_89 = arith.subi %div3A, %sub3A : i32
      %select_n3A = arith.select %and3A, %sub3A_89, %div3A : i32
      %jit3A_90 = arith.constant 8 : i32
      %eq3A = arith.constant 0 : i32
      %eq3A_91 = arith.cmpi eq, %jit3A_90, %eq3A : i32
      %jit3A_92 = arith.constant 1 : i32
      %select_n3A_93 = arith.select %eq3A_91, %jit3A_92, %jit3A_90 : i32
      %rem3A_94 = arith.remsi %scan3A_73, %select_n3A_93 : i32
      %ne3A_95 = arith.constant 0 : i32
      %ne3A_96 = arith.cmpi ne, %rem3A_94, %ne3A_95 : i32
      %lt3A_97 = arith.constant 0 : i32
      %lt3A_98 = arith.cmpi slt, %rem3A_94, %lt3A_97 : i32
      %lt3A_99 = arith.constant 0 : i32
      %lt3A_100 = arith.cmpi slt, %select_n3A_93, %lt3A_99 : i32
      %ne3A_101 = arith.xori %lt3A_98, %lt3A_100 : i1
      %and3A_102 = arith.andi %ne3A_101, %ne3A_96 : i1
      %add3A_103 = arith.addi %rem3A_94, %select_n3A_93 : i32
      %select_n3A_104 = arith.select %and3A_102, %add3A_103, %rem3A_94 : i32
      %mul3A_105 = arith.constant 16 : i32
      %mul3A_106 = arith.muli %select_n3A_104, %mul3A_105 : i32
      %swap3A = arith.index_cast %select_n3A : i32 to index
      %swap3A_107 = arith.index_cast %mul3A_106 : i32 to index
      %swap3A_108 = tpu.vector_load %arg5[%swap3A, %swap3A_107] {strides = array<i32>} : memref<128x128xf32, #tpu.memory_space<vmem>>, vector<1x16xf32>,
      %swap3A_109 = vector.shape_cast %swap3A_108 : vector<1x16xf32> to vector<16xf32>
      %swap3A_110 = vector.shape_cast %broadcast_in_dim3A_1 : vector<16xf32> to vector<1x16xf32>
      tpu.vector_store %arg5[%swap3A, %swap3A_107], %swap3A_110 {strides = array<i32>} : memref<128x128xf32, #tpu.memory_space<vmem>>, vector<1x16xf32>,
    }
    %scan3A_8 = arith.constant 832 : i32
    %mul3A_9 = arith.constant 632 : i32
    %mul3A_10 = arith.muli %arg1, %mul3A_9 : i32
    %multiple_of3A = tpu.assume_multiple %mul3A_10, 8 : i32
    %add3A_11 = arith.constant 0 : i32
    %add3A_12 = arith.addi %multiple_of3A, %add3A_11 : i32
    "tpu.region"() ({
      %run_scoped3A = tpu.sem_alloc : memref<!tpu.dma_semaphore, #tpu.memory_space<semaphore_mem>>
      %dma_start3A_73 = arith.constant 0 : i32
      %dma_start3A_74 = arith.constant 0 : i32
      %dma_start3A_75 = tpu.memref_slice %arg5[%dma_start3A_73, %dma_start3A_74] : memref<128x128xf32, #tpu.memory_space<vmem>> -> memref<104x128xf32, #tpu.memory_space<vmem>>
      %dma_start3A_76 = arith.constant 0 : i32
      %dma_start3A_77 = tpu.memref_slice %arg6[%add3A_12, %dma_start3A_76] : memref<10112x128xf32, #tpu.memory_space<vmem_shared>> -> memref<104x128xf32, #tpu.memory_space<vmem_shared>>
      %dma_start3A_78 = arith.constant 0 : i32
      %dma_start3A_79 = tpu.memref_slice %arg6[%add3A_12, %dma_start3A_78] : memref<10112x128xf32, #tpu.memory_space<vmem_shared>> -> memref<104x128xf32, #tpu.memory_space<vmem_shared>>
      %dma_start3A_80 = arith.constant 0 : i32
      %dma_start3A_81 = arith.constant 0 : i32
      %dma_start3A_82 = tpu.memref_slice %arg5[%dma_start3A_80, %dma_start3A_81] : memref<128x128xf32, #tpu.memory_space<vmem>> -> memref<104x128xf32, #tpu.memory_space<vmem>>
      tpu.enqueue_dma source(%dma_start3A_82 : memref<104x128xf32, #tpu.memory_space<vmem>>) target(%dma_start3A_79 : memref<104x128xf32, #tpu.memory_space<vmem_shared>>) target_semaphore(%run_scoped3A : memref<!tpu.dma_semaphore, #tpu.memory_space<semaphore_mem>>)
      %dma_wait3A = arith.constant 0 : i32
      %dma_wait3A_83 = arith.constant 0 : i32
      %dma_wait3A_84 = tpu.memref_slice %arg5[%dma_wait3A, %dma_wait3A_83] : memref<128x128xf32, #tpu.memory_space<vmem>> -> memref<104x128xf32, #tpu.memory_space<vmem>>
      %dma_wait3A_85 = arith.constant 0 : i32
      %dma_wait3A_86 = tpu.memref_slice %arg6[%add3A_12, %dma_wait3A_85] : memref<10112x128xf32, #tpu.memory_space<vmem_shared>> -> memref<104x128xf32, #tpu.memory_space<vmem_shared>>
      %dma_wait3A_87 = arith.constant 0 : i32
      %dma_wait3A_88 = tpu.memref_slice %arg6[%add3A_12, %dma_wait3A_87] : memref<10112x128xf32, #tpu.memory_space<vmem_shared>> -> memref<104x128xf32, #tpu.memory_space<vmem_shared>>
      %dma_wait3A_89 = arith.constant 0 : i32
      %dma_wait3A_90 = arith.constant 0 : i32
      %dma_wait3A_91 = tpu.memref_slice %arg5[%dma_wait3A_89, %dma_wait3A_90] : memref<128x128xf32, #tpu.memory_space<vmem>> -> memref<104x128xf32, #tpu.memory_space<vmem>>
      tpu.wait_dma2 semaphore(%run_scoped3A : memref<!tpu.dma_semaphore, #tpu.memory_space<semaphore_mem>>) src(%dma_wait3A_91 : memref<104x128xf32, #tpu.memory_space<vmem>>) dst(%dma_wait3A_88 : memref<104x128xf32, #tpu.memory_space<vmem_shared>>)
      tpu.yield
    }) : () -> ()
    %add3A_13 = arith.constant 104 : i32
    %add3A_14 = arith.addi %multiple_of3A, %add3A_13 : i32
    "tpu.region"() ({
      %run_scoped3A = tpu.sem_alloc : memref<!tpu.dma_semaphore, #tpu.memory_space<semaphore_mem>>
      %dma_start3A_73 = arith.constant 0 : i32
      %dma_start3A_74 = arith.constant 0 : i32
      %dma_start3A_75 = tpu.memref_slice %arg5[%dma_start3A_73, %dma_start3A_74] : memref<128x128xf32, #tpu.memory_space<vmem>> -> memref<104x128xf32, #tpu.memory_space<vmem>>
      %dma_start3A_76 = arith.constant 0 : i32
      %dma_start3A_77 = tpu.memref_slice %arg6[%add3A_14, %dma_start3A_76] : memref<10112x128xf32, #tpu.memory_space<vmem_shared>> -> memref<104x128xf32, #tpu.memory_space<vmem_shared>>
      %dma_start3A_78 = arith.constant 0 : i32
      %dma_start3A_79 = tpu.memref_slice %arg6[%add3A_14, %dma_start3A_78] : memref<10112x128xf32, #tpu.memory_space<vmem_shared>> -> memref<104x128xf32, #tpu.memory_space<vmem_shared>>
      %dma_start3A_80 = arith.constant 0 : i32
      %dma_start3A_81 = arith.constant 0 : i32
      %dma_start3A_82 = tpu.memref_slice %arg5[%dma_start3A_80, %dma_start3A_81] : memref<128x128xf32, #tpu.memory_space<vmem>> -> memref<104x128xf32, #tpu.memory_space<vmem>>
      tpu.enqueue_dma source(%dma_start3A_82 : memref<104x128xf32, #tpu.memory_space<vmem>>) target(%dma_start3A_79 : memref<104x128xf32, #tpu.memory_space<vmem_shared>>) target_semaphore(%run_scoped3A : memref<!tpu.dma_semaphore, #tpu.memory_space<semaphore_mem>>)
      %dma_wait3A = arith.constant 0 : i32
      %dma_wait3A_83 = arith.constant 0 : i32
      %dma_wait3A_84 = tpu.memref_slice %arg5[%dma_wait3A, %dma_wait3A_83] : memref<128x128xf32, #tpu.memory_space<vmem>> -> memref<104x128xf32, #tpu.memory_space<vmem>>
      %dma_wait3A_85 = arith.constant 0 : i32
      %dma_wait3A_86 = tpu.memref_slice %arg6[%add3A_14, %dma_wait3A_85] : memref<10112x128xf32, #tpu.memory_space<vmem_shared>> -> memref<104x128xf32, #tpu.memory_space<vmem_shared>>
      %dma_wait3A_87 = arith.constant 0 : i32
      %dma_wait3A_88 = tpu.memref_slice %arg6[%add3A_14, %dma_wait3A_87] : memref<10112x128xf32, #tpu.memory_space<vmem_shared>> -> memref<104x128xf32, #tpu.memory_space<vmem_shared>>
      %dma_wait3A_89 = arith.constant 0 : i32
      %dma_wait3A_90 = arith.constant 0 : i32
      %dma_wait3A_91 = tpu.memref_slice %arg5[%dma_wait3A_89, %dma_wait3A_90] : memref<128x128xf32, #tpu.memory_space<vmem>> -> memref<104x128xf32, #tpu.memory_space<vmem>>
      tpu.wait_dma2 semaphore(%run_scoped3A : memref<!tpu.dma_semaphore, #tpu.memory_space<semaphore_mem>>) src(%dma_wait3A_91 : memref<104x128xf32, #tpu.memory_space<vmem>>) dst(%dma_wait3A_88 : memref<104x128xf32, #tpu.memory_space<vmem_shared>>)
      tpu.yield
    }) : () -> ()
    %add3A_15 = arith.constant 208 : i32
    %add3A_16 = arith.addi %multiple_of3A, %add3A_15 : i32
    "tpu.region"() ({
      %run_scoped3A = tpu.sem_alloc : memref<!tpu.dma_semaphore, #tpu.memory_space<semaphore_mem>>
      %dma_start3A_73 = arith.constant 0 : i32
      %dma_start3A_74 = arith.constant 0 : i32
      %dma_start3A_75 = tpu.memref_slice %arg5[%dma_start3A_73, %dma_start3A_74] : memref<128x128xf32, #tpu.memory_space<vmem>> -> memref<104x128xf32, #tpu.memory_space<vmem>>
      %dma_start3A_76 = arith.constant 0 : i32
      %dma_start3A_77 = tpu.memref_slice %arg6[%add3A_16, %dma_start3A_76] : memref<10112x128xf32, #tpu.memory_space<vmem_shared>> -> memref<104x128xf32, #tpu.memory_space<vmem_shared>>
      %dma_start3A_78 = arith.constant 0 : i32
      %dma_start3A_79 = tpu.memref_slice %arg6[%add3A_16, %dma_start3A_78] : memref<10112x128xf32, #tpu.memory_space<vmem_shared>> -> memref<104x128xf32, #tpu.memory_space<vmem_shared>>
      %dma_start3A_80 = arith.constant 0 : i32
      %dma_start3A_81 = arith.constant 0 : i32
      %dma_start3A_82 = tpu.memref_slice %arg5[%dma_start3A_80, %dma_start3A_81] : memref<128x128xf32, #tpu.memory_space<vmem>> -> memref<104x128xf32, #tpu.memory_space<vmem>>
      tpu.enqueue_dma source(%dma_start3A_82 : memref<104x128xf32, #tpu.memory_space<vmem>>) target(%dma_start3A_79 : memref<104x128xf32, #tpu.memory_space<vmem_shared>>) target_semaphore(%run_scoped3A : memref<!tpu.dma_semaphore, #tpu.memory_space<semaphore_mem>>)
      %dma_wait3A = arith.constant 0 : i32
      %dma_wait3A_83 = arith.constant 0 : i32
      %dma_wait3A_84 = tpu.memref_slice %arg5[%dma_wait3A, %dma_wait3A_83] : memref<128x128xf32, #tpu.memory_space<vmem>> -> memref<104x128xf32, #tpu.memory_space<vmem>>
      %dma_wait3A_85 = arith.constant 0 : i32
      %dma_wait3A_86 = tpu.memref_slice %arg6[%add3A_16, %dma_wait3A_85] : memref<10112x128xf32, #tpu.memory_space<vmem_shared>> -> memref<104x128xf32, #tpu.memory_space<vmem_shared>>
      %dma_wait3A_87 = arith.constant 0 : i32
      %dma_wait3A_88 = tpu.memref_slice %arg6[%add3A_16, %dma_wait3A_87] : memref<10112x128xf32, #tpu.memory_space<vmem_shared>> -> memref<104x128xf32, #tpu.memory_space<vmem_shared>>
      %dma_wait3A_89 = arith.constant 0 : i32
      %dma_wait3A_90 = arith.constant 0 : i32
      %dma_wait3A_91 = tpu.memref_slice %arg5[%dma_wait3A_89, %dma_wait3A_90] : memref<128x128xf32, #tpu.memory_space<vmem>> -> memref<104x128xf32, #tpu.memory_space<vmem>>
      tpu.wait_dma2 semaphore(%run_scoped3A : memref<!tpu.dma_semaphore, #tpu.memory_space<semaphore_mem>>) src(%dma_wait3A_91 : memref<104x128xf32, #tpu.memory_space<vmem>>) dst(%dma_wait3A_88 : memref<104x128xf32, #tpu.memory_space<vmem_shared>>)
      tpu.yield
    }) : () -> ()
    %add3A_17 = arith.constant 312 : i32
    %add3A_18 = arith.addi %multiple_of3A, %add3A_17 : i32
    "tpu.region"() ({
      %run_scoped3A = tpu.sem_alloc : memref<!tpu.dma_semaphore, #tpu.memory_space<semaphore_mem>>
      %dma_start3A_73 = arith.constant 0 : i32
      %dma_start3A_74 = arith.constant 0 : i32
      %dma_start3A_75 = tpu.memref_slice %arg5[%dma_start3A_73, %dma_start3A_74] : memref<128x128xf32, #tpu.memory_space<vmem>> -> memref<104x128xf32, #tpu.memory_space<vmem>>
      %dma_start3A_76 = arith.constant 0 : i32
      %dma_start3A_77 = tpu.memref_slice %arg6[%add3A_18, %dma_start3A_76] : memref<10112x128xf32, #tpu.memory_space<vmem_shared>> -> memref<104x128xf32, #tpu.memory_space<vmem_shared>>
      %dma_start3A_78 = arith.constant 0 : i32
      %dma_start3A_79 = tpu.memref_slice %arg6[%add3A_18, %dma_start3A_78] : memref<10112x128xf32, #tpu.memory_space<vmem_shared>> -> memref<104x128xf32, #tpu.memory_space<vmem_shared>>
      %dma_start3A_80 = arith.constant 0 : i32
      %dma_start3A_81 = arith.constant 0 : i32
      %dma_start3A_82 = tpu.memref_slice %arg5[%dma_start3A_80, %dma_start3A_81] : memref<128x128xf32, #tpu.memory_space<vmem>> -> memref<104x128xf32, #tpu.memory_space<vmem>>
      tpu.enqueue_dma source(%dma_start3A_82 : memref<104x128xf32, #tpu.memory_space<vmem>>) target(%dma_start3A_79 : memref<104x128xf32, #tpu.memory_space<vmem_shared>>) target_semaphore(%run_scoped3A : memref<!tpu.dma_semaphore, #tpu.memory_space<semaphore_mem>>)
      %dma_wait3A = arith.constant 0 : i32
      %dma_wait3A_83 = arith.constant 0 : i32
      %dma_wait3A_84 = tpu.memref_slice %arg5[%dma_wait3A, %dma_wait3A_83] : memref<128x128xf32, #tpu.memory_space<vmem>> -> memref<104x128xf32, #tpu.memory_space<vmem>>
      %dma_wait3A_85 = arith.constant 0 : i32
      %dma_wait3A_86 = tpu.memref_slice %arg6[%add3A_18, %dma_wait3A_85] : memref<10112x128xf32, #tpu.memory_space<vmem_shared>> -> memref<104x128xf32, #tpu.memory_space<vmem_shared>>
      %dma_wait3A_87 = arith.constant 0 : i32
      %dma_wait3A_88 = tpu.memref_slice %arg6[%add3A_18, %dma_wait3A_87] : memref<10112x128xf32, #tpu.memory_space<vmem_shared>> -> memref<104x128xf32, #tpu.memory_space<vmem_shared>>
      %dma_wait3A_89 = arith.constant 0 : i32
      %dma_wait3A_90 = arith.constant 0 : i32
      %dma_wait3A_91 = tpu.memref_slice %arg5[%dma_wait3A_89, %dma_wait3A_90] : memref<128x128xf32, #tpu.memory_space<vmem>> -> memref<104x128xf32, #tpu.memory_space<vmem>>
      tpu.wait_dma2 semaphore(%run_scoped3A : memref<!tpu.dma_semaphore, #tpu.memory_space<semaphore_mem>>) src(%dma_wait3A_91 : memref<104x128xf32, #tpu.memory_space<vmem>>) dst(%dma_wait3A_88 : memref<104x128xf32, #tpu.memory_space<vmem_shared>>)
      tpu.yield
    }) : () -> ()
    %add3A_19 = arith.constant 416 : i32
    %add3A_20 = arith.addi %multiple_of3A, %add3A_19 : i32
    "tpu.region"() ({
      %run_scoped3A = tpu.sem_alloc : memref<!tpu.dma_semaphore, #tpu.memory_space<semaphore_mem>>
      %dma_start3A_73 = arith.constant 0 : i32
      %dma_start3A_74 = arith.constant 0 : i32
      %dma_start3A_75 = tpu.memref_slice %arg5[%dma_start3A_73, %dma_start3A_74] : memref<128x128xf32, #tpu.memory_space<vmem>> -> memref<104x128xf32, #tpu.memory_space<vmem>>
      %dma_start3A_76 = arith.constant 0 : i32
      %dma_start3A_77 = tpu.memref_slice %arg6[%add3A_20, %dma_start3A_76] : memref<10112x128xf32, #tpu.memory_space<vmem_shared>> -> memref<104x128xf32, #tpu.memory_space<vmem_shared>>
      %dma_start3A_78 = arith.constant 0 : i32
      %dma_start3A_79 = tpu.memref_slice %arg6[%add3A_20, %dma_start3A_78] : memref<10112x128xf32, #tpu.memory_space<vmem_shared>> -> memref<104x128xf32, #tpu.memory_space<vmem_shared>>
      %dma_start3A_80 = arith.constant 0 : i32
      %dma_start3A_81 = arith.constant 0 : i32
      %dma_start3A_82 = tpu.memref_slice %arg5[%dma_start3A_80, %dma_start3A_81] : memref<128x128xf32, #tpu.memory_space<vmem>> -> memref<104x128xf32, #tpu.memory_space<vmem>>
      tpu.enqueue_dma source(%dma_start3A_82 : memref<104x128xf32, #tpu.memory_space<vmem>>) target(%dma_start3A_79 : memref<104x128xf32, #tpu.memory_space<vmem_shared>>) target_semaphore(%run_scoped3A : memref<!tpu.dma_semaphore, #tpu.memory_space<semaphore_mem>>)
      %dma_wait3A = arith.constant 0 : i32
      %dma_wait3A_83 = arith.constant 0 : i32
      %dma_wait3A_84 = tpu.memref_slice %arg5[%dma_wait3A, %dma_wait3A_83] : memref<128x128xf32, #tpu.memory_space<vmem>> -> memref<104x128xf32, #tpu.memory_space<vmem>>
      %dma_wait3A_85 = arith.constant 0 : i32
      %dma_wait3A_86 = tpu.memref_slice %arg6[%add3A_20, %dma_wait3A_85] : memref<10112x128xf32, #tpu.memory_space<vmem_shared>> -> memref<104x128xf32, #tpu.memory_space<vmem_shared>>
      %dma_wait3A_87 = arith.constant 0 : i32
      %dma_wait3A_88 = tpu.memref_slice %arg6[%add3A_20, %dma_wait3A_87] : memref<10112x128xf32, #tpu.memory_space<vmem_shared>> -> memref<104x128xf32, #tpu.memory_space<vmem_shared>>
      %dma_wait3A_89 = arith.constant 0 : i32
      %dma_wait3A_90 = arith.constant 0 : i32
      %dma_wait3A_91 = tpu.memref_slice %arg5[%dma_wait3A_89, %dma_wait3A_90] : memref<128x128xf32, #tpu.memory_space<vmem>> -> memref<104x128xf32, #tpu.memory_space<vmem>>
      tpu.wait_dma2 semaphore(%run_scoped3A : memref<!tpu.dma_semaphore, #tpu.memory_space<semaphore_mem>>) src(%dma_wait3A_91 : memref<104x128xf32, #tpu.memory_space<vmem>>) dst(%dma_wait3A_88 : memref<104x128xf32, #tpu.memory_space<vmem_shared>>)
      tpu.yield
    }) : () -> ()
    %add3A_21 = arith.constant 520 : i32
    %add3A_22 = arith.addi %multiple_of3A, %add3A_21 : i32
    "tpu.region"() ({
      %run_scoped3A = tpu.sem_alloc : memref<!tpu.dma_semaphore, #tpu.memory_space<semaphore_mem>>
      %dma_start3A_73 = arith.constant 0 : i32
      %dma_start3A_74 = arith.constant 0 : i32
      %dma_start3A_75 = tpu.memref_slice %arg5[%dma_start3A_73, %dma_start3A_74] : memref<128x128xf32, #tpu.memory_space<vmem>> -> memref<104x128xf32, #tpu.memory_space<vmem>>
      %dma_start3A_76 = arith.constant 0 : i32
      %dma_start3A_77 = tpu.memref_slice %arg6[%add3A_22, %dma_start3A_76] : memref<10112x128xf32, #tpu.memory_space<vmem_shared>> -> memref<104x128xf32, #tpu.memory_space<vmem_shared>>
      %dma_start3A_78 = arith.constant 0 : i32
      %dma_start3A_79 = tpu.memref_slice %arg6[%add3A_22, %dma_start3A_78] : memref<10112x128xf32, #tpu.memory_space<vmem_shared>> -> memref<104x128xf32, #tpu.memory_space<vmem_shared>>
      %dma_start3A_80 = arith.constant 0 : i32
      %dma_start3A_81 = arith.constant 0 : i32
      %dma_start3A_82 = tpu.memref_slice %arg5[%dma_start3A_80, %dma_start3A_81] : memref<128x128xf32, #tpu.memory_space<vmem>> -> memref<104x128xf32, #tpu.memory_space<vmem>>
      tpu.enqueue_dma source(%dma_start3A_82 : memref<104x128xf32, #tpu.memory_space<vmem>>) target(%dma_start3A_79 : memref<104x128xf32, #tpu.memory_space<vmem_shared>>) target_semaphore(%run_scoped3A : memref<!tpu.dma_semaphore, #tpu.memory_space<semaphore_mem>>)
      %dma_wait3A = arith.constant 0 : i32
      %dma_wait3A_83 = arith.constant 0 : i32
      %dma_wait3A_84 = tpu.memref_slice %arg5[%dma_wait3A, %dma_wait3A_83] : memref<128x128xf32, #tpu.memory_space<vmem>> -> memref<104x128xf32, #tpu.memory_space<vmem>>
      %dma_wait3A_85 = arith.constant 0 : i32
      %dma_wait3A_86 = tpu.memref_slice %arg6[%add3A_22, %dma_wait3A_85] : memref<10112x128xf32, #tpu.memory_space<vmem_shared>> -> memref<104x128xf32, #tpu.memory_space<vmem_shared>>
      %dma_wait3A_87 = arith.constant 0 : i32
      %dma_wait3A_88 = tpu.memref_slice %arg6[%add3A_22, %dma_wait3A_87] : memref<10112x128xf32, #tpu.memory_space<vmem_shared>> -> memref<104x128xf32, #tpu.memory_space<vmem_shared>>
      %dma_wait3A_89 = arith.constant 0 : i32
      %dma_wait3A_90 = arith.constant 0 : i32
      %dma_wait3A_91 = tpu.memref_slice %arg5[%dma_wait3A_89, %dma_wait3A_90] : memref<128x128xf32, #tpu.memory_space<vmem>> -> memref<104x128xf32, #tpu.memory_space<vmem>>
      tpu.wait_dma2 semaphore(%run_scoped3A : memref<!tpu.dma_semaphore, #tpu.memory_space<semaphore_mem>>) src(%dma_wait3A_91 : memref<104x128xf32, #tpu.memory_space<vmem>>) dst(%dma_wait3A_88 : memref<104x128xf32, #tpu.memory_space<vmem_shared>>)
      tpu.yield
    }) : () -> ()
    %add3A_23 = arith.constant 624 : i32
    %add3A_24 = arith.addi %multiple_of3A, %add3A_23 : i32
    "tpu.region"() ({
      %run_scoped3A = tpu.sem_alloc : memref<!tpu.dma_semaphore, #tpu.memory_space<semaphore_mem>>
      %dma_start3A_73 = arith.constant 0 : i32
      %dma_start3A_74 = arith.constant 0 : i32
      %dma_start3A_75 = tpu.memref_slice %arg5[%dma_start3A_73, %dma_start3A_74] : memref<128x128xf32, #tpu.memory_space<vmem>> -> memref<8x128xf32, #tpu.memory_space<vmem>>
      %dma_start3A_76 = arith.constant 0 : i32
      %dma_start3A_77 = tpu.memref_slice %arg6[%add3A_24, %dma_start3A_76] : memref<10112x128xf32, #tpu.memory_space<vmem_shared>> -> memref<8x128xf32, #tpu.memory_space<vmem_shared>>
      %dma_start3A_78 = arith.constant 0 : i32
      %dma_start3A_79 = tpu.memref_slice %arg6[%add3A_24, %dma_start3A_78] : memref<10112x128xf32, #tpu.memory_space<vmem_shared>> -> memref<8x128xf32, #tpu.memory_space<vmem_shared>>
      %dma_start3A_80 = arith.constant 0 : i32
      %dma_start3A_81 = arith.constant 0 : i32
      %dma_start3A_82 = tpu.memref_slice %arg5[%dma_start3A_80, %dma_start3A_81] : memref<128x128xf32, #tpu.memory_space<vmem>> -> memref<8x128xf32, #tpu.memory_space<vmem>>
      tpu.enqueue_dma source(%dma_start3A_82 : memref<8x128xf32, #tpu.memory_space<vmem>>) target(%dma_start3A_79 : memref<8x128xf32, #tpu.memory_space<vmem_shared>>) target_semaphore(%run_scoped3A : memref<!tpu.dma_semaphore, #tpu.memory_space<semaphore_mem>>)
      %dma_wait3A = arith.constant 0 : i32
      %dma_wait3A_83 = arith.constant 0 : i32
      %dma_wait3A_84 = tpu.memref_slice %arg5[%dma_wait3A, %dma_wait3A_83] : memref<128x128xf32, #tpu.memory_space<vmem>> -> memref<8x128xf32, #tpu.memory_space<vmem>>
      %dma_wait3A_85 = arith.constant 0 : i32
      %dma_wait3A_86 = tpu.memref_slice %arg6[%add3A_24, %dma_wait3A_85] : memref<10112x128xf32, #tpu.memory_space<vmem_shared>> -> memref<8x128xf32, #tpu.memory_space<vmem_shared>>
      %dma_wait3A_87 = arith.constant 0 : i32
      %dma_wait3A_88 = tpu.memref_slice %arg6[%add3A_24, %dma_wait3A_87] : memref<10112x128xf32, #tpu.memory_space<vmem_shared>> -> memref<8x128xf32, #tpu.memory_space<vmem_shared>>
      %dma_wait3A_89 = arith.constant 0 : i32
      %dma_wait3A_90 = arith.constant 0 : i32
      %dma_wait3A_91 = tpu.memref_slice %arg5[%dma_wait3A_89, %dma_wait3A_90] : memref<128x128xf32, #tpu.memory_space<vmem>> -> memref<8x128xf32, #tpu.memory_space<vmem>>
      tpu.wait_dma2 semaphore(%run_scoped3A : memref<!tpu.dma_semaphore, #tpu.memory_space<semaphore_mem>>) src(%dma_wait3A_91 : memref<8x128xf32, #tpu.memory_space<vmem>>) dst(%dma_wait3A_88 : memref<8x128xf32, #tpu.memory_space<vmem_shared>>)
      tpu.yield
    }) : () -> ()
    %scan3A_25 = arith.constant 0 : i32
    %scan3A_26 = arith.constant 0 : i32
    %scan3A_27 = arith.constant 1024 : i32
    %scan3A_28 = arith.addi %scan3A_26, %scan3A_27 : i32
    %scan3A_29 = arith.constant 1 : i32
    scf.for %scan3A_73 = %scan3A_26 to %scan3A_28 step %scan3A_29  : i32 {
      %jit3A = arith.constant 8 : i32
      %div3A = arith.divsi %scan3A_73, %jit3A : i32
      %sign3A = arith.constant 0 : i32
      %sign3A_74 = arith.cmpi sgt, %scan3A_73, %sign3A : i32
      %sign3A_75 = arith.extui %sign3A_74 : i1 to i32
      %sign3A_76 = arith.constant 0 : i32
      %sign3A_77 = arith.cmpi slt, %scan3A_73, %sign3A_76 : i32
      %sign3A_78 = arith.extui %sign3A_77 : i1 to i32
      %sign3A_79 = arith.subi %sign3A_75, %sign3A_78 : i32
      %sign3A_80 = arith.constant 0 : i32
      %sign3A_81 = arith.cmpi sgt, %jit3A, %sign3A_80 : i32
      %sign3A_82 = arith.extui %sign3A_81 : i1 to i32
      %sign3A_83 = arith.constant 0 : i32
      %sign3A_84 = arith.cmpi slt, %jit3A, %sign3A_83 : i32
      %sign3A_85 = arith.extui %sign3A_84 : i1 to i32
      %sign3A_86 = arith.subi %sign3A_82, %sign3A_85 : i32
      %ne3A = arith.cmpi ne, %sign3A_79, %sign3A_86 : i32
      %rem3A = arith.remsi %scan3A_73, %jit3A : i32
      %ne3A_87 = arith.constant 0 : i32
      %ne3A_88 = arith.cmpi ne, %rem3A, %ne3A_87 : i32
      %and3A = arith.andi %ne3A, %ne3A_88 : i1
      %sub3A = arith.constant 1 : i32
      %sub3A_89 = arith.subi %div3A, %sub3A : i32
      %select_n3A = arith.select %and3A, %sub3A_89, %div3A : i32
      %jit3A_90 = arith.constant 8 : i32
      %eq3A = arith.constant 0 : i32
      %eq3A_91 = arith.cmpi eq, %jit3A_90, %eq3A : i32
      %jit3A_92 = arith.constant 1 : i32
      %select_n3A_93 = arith.select %eq3A_91, %jit3A_92, %jit3A_90 : i32
      %rem3A_94 = arith.remsi %scan3A_73, %select_n3A_93 : i32
      %ne3A_95 = arith.constant 0 : i32
      %ne3A_96 = arith.cmpi ne, %rem3A_94, %ne3A_95 : i32
      %lt3A_97 = arith.constant 0 : i32
      %lt3A_98 = arith.cmpi slt, %rem3A_94, %lt3A_97 : i32
      %lt3A_99 = arith.constant 0 : i32
      %lt3A_100 = arith.cmpi slt, %select_n3A_93, %lt3A_99 : i32
      %ne3A_101 = arith.xori %lt3A_98, %lt3A_100 : i1
      %and3A_102 = arith.andi %ne3A_101, %ne3A_96 : i1
      %add3A_103 = arith.addi %rem3A_94, %select_n3A_93 : i32
      %select_n3A_104 = arith.select %and3A_102, %add3A_103, %rem3A_94 : i32
      %mul3A_105 = arith.constant 16 : i32
      %mul3A_106 = arith.muli %select_n3A_104, %mul3A_105 : i32
      %swap3A = arith.index_cast %select_n3A : i32 to index
      %swap3A_107 = arith.index_cast %mul3A_106 : i32 to index
      %swap3A_108 = tpu.vector_load %arg5[%swap3A, %swap3A_107] {strides = array<i32>} : memref<128x128xf32, #tpu.memory_space<vmem>>, vector<1x16xf32>,
      %swap3A_109 = vector.shape_cast %swap3A_108 : vector<1x16xf32> to vector<16xf32>
      %swap3A_110 = vector.shape_cast %broadcast_in_dim3A_3 : vector<16xf32> to vector<1x16xf32>
      tpu.vector_store %arg5[%swap3A, %swap3A_107], %swap3A_110 {strides = array<i32>} : memref<128x128xf32, #tpu.memory_space<vmem>>, vector<1x16xf32>,
    }
    %scan3A_30 = arith.constant 1024 : i32
    %barrier3A = arith.constant 0 : index
    tpu.barrier barrier_id(%barrier3A)
    %add3A_31 = arith.constant 0 : i32
    %add3A_32 = arith.addi %add3A, %add3A_31 : i32
    %mul3A_33 = arith.constant 128 : i32
    %mul3A_34 = arith.muli %add3A_32, %mul3A_33 : i32
    %multiple_of3A_35 = tpu.assume_multiple %mul3A_34, 128 : i32
    %dma_start3A = arith.constant 1 : i32
    %dma_start3A_36 = arith.constant 0 : i32
    %dma_start3A_37 = arith.constant 0 : i32
    %dma_start3A_38 = tpu.memref_slice %arg4[%dma_start3A_36, %dma_start3A_37] : memref<2x128xi32, #tpu.memory_space<vmem>> -> memref<1x128xi32, #tpu.memory_space<vmem>>
    %dma_start3A_39 = tpu.memref_squeeze %dma_start3A_38 : memref<1x128xi32, #tpu.memory_space<vmem>> -> memref<128xi32, #tpu.memory_space<vmem>>
    %dma_start3A_40 = tpu.memref_slice %arg2[%dma_start3A, %multiple_of3A_35] : memref<2x320000xi32, #tpu.memory_space<hbm>> -> memref<1x128xi32, #tpu.memory_space<hbm>>
    %dma_start3A_41 = tpu.memref_squeeze %dma_start3A_40 : memref<1x128xi32, #tpu.memory_space<hbm>> -> memref<128xi32, #tpu.memory_space<hbm>>
    %dma_start3A_42 = arith.constant 0 : i32
    %dma_start3A_43 = tpu.memref_slice %arg4[%dma_start3A_36, %dma_start3A_42] : memref<2x128xi32, #tpu.memory_space<vmem>> -> memref<1x128xi32, #tpu.memory_space<vmem>>
    %dma_start3A_44 = tpu.memref_squeeze %dma_start3A_43 : memref<1x128xi32, #tpu.memory_space<vmem>> -> memref<128xi32, #tpu.memory_space<vmem>>
    %dma_start3A_45 = tpu.memref_slice %arg2[%dma_start3A, %multiple_of3A_35] : memref<2x320000xi32, #tpu.memory_space<hbm>> -> memref<1x128xi32, #tpu.memory_space<hbm>>
    %dma_start3A_46 = tpu.memref_squeeze %dma_start3A_45 : memref<1x128xi32, #tpu.memory_space<hbm>> -> memref<128xi32, #tpu.memory_space<hbm>>
    tpu.enqueue_dma source(%dma_start3A_46 : memref<128xi32, #tpu.memory_space<hbm>>) target(%dma_start3A_44 : memref<128xi32, #tpu.memory_space<vmem>>) target_semaphore(%arg7 : memref<!tpu.dma_semaphore, #tpu.memory_space<semaphore_mem>>)
    %add3A_47 = arith.constant 32 : i32
    %add3A_48 = arith.addi %add3A, %add3A_47 : i32
    %mul3A_49 = arith.constant 128 : i32
    %mul3A_50 = arith.muli %add3A_48, %mul3A_49 : i32
    %multiple_of3A_51 = tpu.assume_multiple %mul3A_50, 128 : i32
    %dma_start3A_52 = arith.constant 1 : i32
    %dma_start3A_53 = arith.constant 1 : i32
    %dma_start3A_54 = arith.constant 0 : i32
    %dma_start3A_55 = tpu.memref_slice %arg4[%dma_start3A_53, %dma_start3A_54] : memref<2x128xi32, #tpu.memory_space<vmem>> -> memref<1x128xi32, #tpu.memory_space<vmem>>
    %dma_start3A_56 = tpu.memref_squeeze %dma_start3A_55 : memref<1x128xi32, #tpu.memory_space<vmem>> -> memref<128xi32, #tpu.memory_space<vmem>>
    %dma_start3A_57 = tpu.memref_slice %arg2[%dma_start3A_52, %multiple_of3A_51] : memref<2x320000xi32, #tpu.memory_space<hbm>> -> memref<1x128xi32, #tpu.memory_space<hbm>>
    %dma_start3A_58 = tpu.memref_squeeze %dma_start3A_57 : memref<1x128xi32, #tpu.memory_space<hbm>> -> memref<128xi32, #tpu.memory_space<hbm>>
    %dma_start3A_59 = arith.constant 0 : i32
    %dma_start3A_60 = tpu.memref_slice %arg4[%dma_start3A_53, %dma_start3A_59] : memref<2x128xi32, #tpu.memory_space<vmem>> -> memref<1x128xi32, #tpu.memory_space<vmem>>
    %dma_start3A_61 = tpu.memref_squeeze %dma_start3A_60 : memref<1x128xi32, #tpu.memory_space<vmem>> -> memref<128xi32, #tpu.memory_space<vmem>>
    %dma_start3A_62 = tpu.memref_slice %arg2[%dma_start3A_52, %multiple_of3A_51] : memref<2x320000xi32, #tpu.memory_space<hbm>> -> memref<1x128xi32, #tpu.memory_space<hbm>>
    %dma_start3A_63 = tpu.memref_squeeze %dma_start3A_62 : memref<1x128xi32, #tpu.memory_space<hbm>> -> memref<128xi32, #tpu.memory_space<hbm>>
    tpu.enqueue_dma source(%dma_start3A_63 : memref<128xi32, #tpu.memory_space<hbm>>) target(%dma_start3A_61 : memref<128xi32, #tpu.memory_space<vmem>>) target_semaphore(%arg8 : memref<!tpu.dma_semaphore, #tpu.memory_space<semaphore_mem>>)
    %scan3A_64 = arith.constant 0 : i32
    %scan3A_65 = arith.constant 0 : i32
    %scan3A_66 = arith.constant 39 : i32
    %scan3A_67 = arith.addi %scan3A_65, %scan3A_66 : i32
    %scan3A_68 = arith.constant 1 : i32
    scf.for %scan3A_73 = %scan3A_65 to %scan3A_67 step %scan3A_68  : i32 {
      %mul3A_74 = arith.constant 2 : i32
      %mul3A_75 = arith.muli %scan3A_73, %mul3A_74 : i32
      %add3A_76 = arith.constant 0 : i32
      %add3A_77 = arith.addi %mul3A_75, %add3A_76 : i32
      %mul3A_78 = arith.constant 32 : i32
      %mul3A_79 = arith.muli %add3A_77, %mul3A_78 : i32
      %add3A_80 = arith.addi %add3A, %mul3A_79 : i32
      %mul3A_81 = arith.constant 128 : i32
      %mul3A_82 = arith.muli %add3A_80, %mul3A_81 : i32
      %multiple_of3A_83 = tpu.assume_multiple %mul3A_82, 128 : i32
      %dma_wait3A = arith.constant 1 : i32
      %dma_wait3A_84 = arith.constant 0 : i32
      %dma_wait3A_85 = arith.constant 0 : i32
      %dma_wait3A_86 = tpu.memref_slice %arg4[%dma_wait3A_84, %dma_wait3A_85] : memref<2x128xi32, #tpu.memory_space<vmem>> -> memref<1x128xi32, #tpu.memory_space<vmem>>
      %dma_wait3A_87 = tpu.memref_squeeze %dma_wait3A_86 : memref<1x128xi32, #tpu.memory_space<vmem>> -> memref<128xi32, #tpu.memory_space<vmem>>
      %dma_wait3A_88 = tpu.memref_slice %arg2[%dma_wait3A, %multiple_of3A_83] : memref<2x320000xi32, #tpu.memory_space<hbm>> -> memref<1x128xi32, #tpu.memory_space<hbm>>
      %dma_wait3A_89 = tpu.memref_squeeze %dma_wait3A_88 : memref<1x128xi32, #tpu.memory_space<hbm>> -> memref<128xi32, #tpu.memory_space<hbm>>
      %dma_wait3A_90 = arith.constant 0 : i32
      %dma_wait3A_91 = tpu.memref_slice %arg4[%dma_wait3A_84, %dma_wait3A_90] : memref<2x128xi32, #tpu.memory_space<vmem>> -> memref<1x128xi32, #tpu.memory_space<vmem>>
      %dma_wait3A_92 = tpu.memref_squeeze %dma_wait3A_91 : memref<1x128xi32, #tpu.memory_space<vmem>> -> memref<128xi32, #tpu.memory_space<vmem>>
      %dma_wait3A_93 = tpu.memref_slice %arg2[%dma_wait3A, %multiple_of3A_83] : memref<2x320000xi32, #tpu.memory_space<hbm>> -> memref<1x128xi32, #tpu.memory_space<hbm>>
      %dma_wait3A_94 = tpu.memref_squeeze %dma_wait3A_93 : memref<1x128xi32, #tpu.memory_space<hbm>> -> memref<128xi32, #tpu.memory_space<hbm>>
      tpu.wait_dma2 semaphore(%arg7 : memref<!tpu.dma_semaphore, #tpu.memory_space<semaphore_mem>>) src(%dma_wait3A_94 : memref<128xi32, #tpu.memory_space<hbm>>) dst(%dma_wait3A_92 : memref<128xi32, #tpu.memory_space<vmem>>)
      %run_scoped3A = arith.constant 0 : i32
      "tpu.region"() ({
        %run_scoped3A_142 = tpu.sem_alloc : memref<!tpu.dma_semaphore, #tpu.memory_space<semaphore_mem>>
        %dma_start3A_143 = arith.constant 0 : i32
        %dma_start3A_144 = tpu.memref_slice %arg4[%run_scoped3A, %dma_start3A_143] : memref<2x128xi32, #tpu.memory_space<vmem>> -> memref<1x128xi32, #tpu.memory_space<vmem>>
        %dma_start3A_145 = tpu.memref_squeeze %dma_start3A_144 : memref<1x128xi32, #tpu.memory_space<vmem>> -> memref<128xi32, #tpu.memory_space<vmem>>
        %dma_start3A_146 = arith.constant 0 : i32
        %dma_start3A_147 = arith.constant 0 : i32
        %dma_start3A_148 = tpu.memref_slice %arg6[%dma_start3A_146, %dma_start3A_147] : memref<10112x128xf32, #tpu.memory_space<vmem_shared>> -> memref<10112x128xf32, #tpu.memory_space<vmem_shared>>
        tpu.enqueue_indirect_dma source(%arg5 : memref<128x128xf32, #tpu.memory_space<vmem>>) target(%dma_start3A_148 : memref<10112x128xf32, #tpu.memory_space<vmem_shared>>) offsets(%dma_start3A_145 : memref<128xi32, #tpu.memory_space<vmem>>) semaphore(%run_scoped3A_142 : memref<!tpu.dma_semaphore, #tpu.memory_space<semaphore_mem>>) {add = true}
        %dma_wait3A_149 = arith.constant 0 : i32
        %dma_wait3A_150 = tpu.memref_slice %arg4[%run_scoped3A, %dma_wait3A_149] : memref<2x128xi32, #tpu.memory_space<vmem>> -> memref<1x128xi32, #tpu.memory_space<vmem>>
        %dma_wait3A_151 = tpu.memref_squeeze %dma_wait3A_150 : memref<1x128xi32, #tpu.memory_space<vmem>> -> memref<128xi32, #tpu.memory_space<vmem>>
        %dma_wait3A_152 = arith.constant 0 : i32
        %dma_wait3A_153 = arith.constant 0 : i32
        %dma_wait3A_154 = tpu.memref_slice %arg6[%dma_wait3A_152, %dma_wait3A_153] : memref<10112x128xf32, #tpu.memory_space<vmem_shared>> -> memref<10112x128xf32, #tpu.memory_space<vmem_shared>>
        tpu.wait_indirect_dma semaphore(%run_scoped3A_142 : memref<!tpu.dma_semaphore, #tpu.memory_space<semaphore_mem>>) src(%arg5 : memref<128x128xf32, #tpu.memory_space<vmem>>) dst(%dma_wait3A_154 : memref<10112x128xf32, #tpu.memory_space<vmem_shared>>)
        tpu.yield
      }) : () -> ()
      %add3A_95 = arith.constant 2 : i32
      %add3A_96 = arith.addi %add3A_77, %add3A_95 : i32
      %lt3A_97 = arith.constant 4 : i32
      %lt3A_98 = arith.cmpi slt, %add3A, %lt3A_97 : i32
      %jit3A = arith.constant 1 : i32
      %jit3A_99 = arith.constant 0 : i32
      %select_n3A = arith.select %lt3A_98, %jit3A, %jit3A_99 : i32
      %add3A_100 = arith.constant 78 : i32
      %add3A_101 = arith.addi %add3A_100, %select_n3A : i32
      %lt3A_102 = arith.cmpi slt, %add3A_96, %add3A_101 : i32
      %convert_element_type3A_103 = arith.extui %lt3A_102 : i1 to i32
      %cond3A_104 = arith.constant 0 : i32
      %cond3A_105 = arith.cmpi ne, %convert_element_type3A_103, %cond3A_104 : i32
      scf.if %cond3A_105 {
        %add3A_142 = arith.constant 2 : i32
        %add3A_143 = arith.addi %add3A_77, %add3A_142 : i32
        %mul3A_144 = arith.constant 32 : i32
        %mul3A_145 = arith.muli %add3A_143, %mul3A_144 : i32
        %add3A_146 = arith.addi %add3A, %mul3A_145 : i32
        %mul3A_147 = arith.constant 128 : i32
        %mul3A_148 = arith.muli %add3A_146, %mul3A_147 : i32
        %multiple_of3A_149 = tpu.assume_multiple %mul3A_148, 128 : i32
        %dma_start3A_150 = arith.constant 1 : i32
        %dma_start3A_151 = arith.constant 0 : i32
        %dma_start3A_152 = arith.constant 0 : i32
        %dma_start3A_153 = tpu.memref_slice %arg4[%dma_start3A_151, %dma_start3A_152] : memref<2x128xi32, #tpu.memory_space<vmem>> -> memref<1x128xi32, #tpu.memory_space<vmem>>
        %dma_start3A_154 = tpu.memref_squeeze %dma_start3A_153 : memref<1x128xi32, #tpu.memory_space<vmem>> -> memref<128xi32, #tpu.memory_space<vmem>>
        %dma_start3A_155 = tpu.memref_slice %arg2[%dma_start3A_150, %multiple_of3A_149] : memref<2x320000xi32, #tpu.memory_space<hbm>> -> memref<1x128xi32, #tpu.memory_space<hbm>>
        %dma_start3A_156 = tpu.memref_squeeze %dma_start3A_155 : memref<1x128xi32, #tpu.memory_space<hbm>> -> memref<128xi32, #tpu.memory_space<hbm>>
        %dma_start3A_157 = arith.constant 0 : i32
        %dma_start3A_158 = tpu.memref_slice %arg4[%dma_start3A_151, %dma_start3A_157] : memref<2x128xi32, #tpu.memory_space<vmem>> -> memref<1x128xi32, #tpu.memory_space<vmem>>
        %dma_start3A_159 = tpu.memref_squeeze %dma_start3A_158 : memref<1x128xi32, #tpu.memory_space<vmem>> -> memref<128xi32, #tpu.memory_space<vmem>>
        %dma_start3A_160 = tpu.memref_slice %arg2[%dma_start3A_150, %multiple_of3A_149] : memref<2x320000xi32, #tpu.memory_space<hbm>> -> memref<1x128xi32, #tpu.memory_space<hbm>>
        %dma_start3A_161 = tpu.memref_squeeze %dma_start3A_160 : memref<1x128xi32, #tpu.memory_space<hbm>> -> memref<128xi32, #tpu.memory_space<hbm>>
        tpu.enqueue_dma source(%dma_start3A_161 : memref<128xi32, #tpu.memory_space<hbm>>) target(%dma_start3A_159 : memref<128xi32, #tpu.memory_space<vmem>>) target_semaphore(%arg7 : memref<!tpu.dma_semaphore, #tpu.memory_space<semaphore_mem>>)
      } else {
      }
      %mul3A_106 = arith.constant 2 : i32
      %mul3A_107 = arith.muli %scan3A_73, %mul3A_106 : i32
      %add3A_108 = arith.constant 1 : i32
      %add3A_109 = arith.addi %mul3A_107, %add3A_108 : i32
      %mul3A_110 = arith.constant 32 : i32
      %mul3A_111 = arith.muli %add3A_109, %mul3A_110 : i32
      %add3A_112 = arith.addi %add3A, %mul3A_111 : i32
      %mul3A_113 = arith.constant 128 : i32
      %mul3A_114 = arith.muli %add3A_112, %mul3A_113 : i32
      %multiple_of3A_115 = tpu.assume_multiple %mul3A_114, 128 : i32
      %dma_wait3A_116 = arith.constant 1 : i32
      %dma_wait3A_117 = arith.constant 1 : i32
      %dma_wait3A_118 = arith.constant 0 : i32
      %dma_wait3A_119 = tpu.memref_slice %arg4[%dma_wait3A_117, %dma_wait3A_118] : memref<2x128xi32, #tpu.memory_space<vmem>> -> memref<1x128xi32, #tpu.memory_space<vmem>>
      %dma_wait3A_120 = tpu.memref_squeeze %dma_wait3A_119 : memref<1x128xi32, #tpu.memory_space<vmem>> -> memref<128xi32, #tpu.memory_space<vmem>>
      %dma_wait3A_121 = tpu.memref_slice %arg2[%dma_wait3A_116, %multiple_of3A_115] : memref<2x320000xi32, #tpu.memory_space<hbm>> -> memref<1x128xi32, #tpu.memory_space<hbm>>
      %dma_wait3A_122 = tpu.memref_squeeze %dma_wait3A_121 : memref<1x128xi32, #tpu.memory_space<hbm>> -> memref<128xi32, #tpu.memory_space<hbm>>
      %dma_wait3A_123 = arith.constant 0 : i32
      %dma_wait3A_124 = tpu.memref_slice %arg4[%dma_wait3A_117, %dma_wait3A_123] : memref<2x128xi32, #tpu.memory_space<vmem>> -> memref<1x128xi32, #tpu.memory_space<vmem>>
      %dma_wait3A_125 = tpu.memref_squeeze %dma_wait3A_124 : memref<1x128xi32, #tpu.memory_space<vmem>> -> memref<128xi32, #tpu.memory_space<vmem>>
      %dma_wait3A_126 = tpu.memref_slice %arg2[%dma_wait3A_116, %multiple_of3A_115] : memref<2x320000xi32, #tpu.memory_space<hbm>> -> memref<1x128xi32, #tpu.memory_space<hbm>>
      %dma_wait3A_127 = tpu.memref_squeeze %dma_wait3A_126 : memref<1x128xi32, #tpu.memory_space<hbm>> -> memref<128xi32, #tpu.memory_space<hbm>>
      tpu.wait_dma2 semaphore(%arg8 : memref<!tpu.dma_semaphore, #tpu.memory_space<semaphore_mem>>) src(%dma_wait3A_127 : memref<128xi32, #tpu.memory_space<hbm>>) dst(%dma_wait3A_125 : memref<128xi32, #tpu.memory_space<vmem>>)
      %run_scoped3A_128 = arith.constant 1 : i32
      "tpu.region"() ({
        %run_scoped3A_142 = tpu.sem_alloc : memref<!tpu.dma_semaphore, #tpu.memory_space<semaphore_mem>>
        %dma_start3A_143 = arith.constant 0 : i32
        %dma_start3A_144 = tpu.memref_slice %arg4[%run_scoped3A_128, %dma_start3A_143] : memref<2x128xi32, #tpu.memory_space<vmem>> -> memref<1x128xi32, #tpu.memory_space<vmem>>
        %dma_start3A_145 = tpu.memref_squeeze %dma_start3A_144 : memref<1x128xi32, #tpu.memory_space<vmem>> -> memref<128xi32, #tpu.memory_space<vmem>>
        %dma_start3A_146 = arith.constant 0 : i32
        %dma_start3A_147 = arith.constant 0 : i32
        %dma_start3A_148 = tpu.memref_slice %arg6[%dma_start3A_146, %dma_start3A_147] : memref<10112x128xf32, #tpu.memory_space<vmem_shared>> -> memref<10112x128xf32, #tpu.memory_space<vmem_shared>>
        tpu.enqueue_indirect_dma source(%arg5 : memref<128x128xf32, #tpu.memory_space<vmem>>) target(%dma_start3A_148 : memref<10112x128xf32, #tpu.memory_space<vmem_shared>>) offsets(%dma_start3A_145 : memref<128xi32, #tpu.memory_space<vmem>>) semaphore(%run_scoped3A_142 : memref<!tpu.dma_semaphore, #tpu.memory_space<semaphore_mem>>) {add = true}
        %dma_wait3A_149 = arith.constant 0 : i32
        %dma_wait3A_150 = tpu.memref_slice %arg4[%run_scoped3A_128, %dma_wait3A_149] : memref<2x128xi32, #tpu.memory_space<vmem>> -> memref<1x128xi32, #tpu.memory_space<vmem>>
        %dma_wait3A_151 = tpu.memref_squeeze %dma_wait3A_150 : memref<1x128xi32, #tpu.memory_space<vmem>> -> memref<128xi32, #tpu.memory_space<vmem>>
        %dma_wait3A_152 = arith.constant 0 : i32
        %dma_wait3A_153 = arith.constant 0 : i32
        %dma_wait3A_154 = tpu.memref_slice %arg6[%dma_wait3A_152, %dma_wait3A_153] : memref<10112x128xf32, #tpu.memory_space<vmem_shared>> -> memref<10112x128xf32, #tpu.memory_space<vmem_shared>>
        tpu.wait_indirect_dma semaphore(%run_scoped3A_142 : memref<!tpu.dma_semaphore, #tpu.memory_space<semaphore_mem>>) src(%arg5 : memref<128x128xf32, #tpu.memory_space<vmem>>) dst(%dma_wait3A_154 : memref<10112x128xf32, #tpu.memory_space<vmem_shared>>)
        tpu.yield
      }) : () -> ()
      %add3A_129 = arith.constant 2 : i32
      %add3A_130 = arith.addi %add3A_109, %add3A_129 : i32
      %lt3A_131 = arith.constant 4 : i32
      %lt3A_132 = arith.cmpi slt, %add3A, %lt3A_131 : i32
      %jit3A_133 = arith.constant 1 : i32
      %jit3A_134 = arith.constant 0 : i32
      %select_n3A_135 = arith.select %lt3A_132, %jit3A_133, %jit3A_134 : i32
      %add3A_136 = arith.constant 78 : i32
      %add3A_137 = arith.addi %add3A_136, %select_n3A_135 : i32
      %lt3A_138 = arith.cmpi slt, %add3A_130, %add3A_137 : i32
      %convert_element_type3A_139 = arith.extui %lt3A_138 : i1 to i32
      %cond3A_140 = arith.constant 0 : i32
      %cond3A_141 = arith.cmpi ne, %convert_element_type3A_139, %cond3A_140 : i32
      scf.if %cond3A_141 {
        %add3A_142 = arith.constant 2 : i32
        %add3A_143 = arith.addi %add3A_109, %add3A_142 : i32
        %mul3A_144 = arith.constant 32 : i32
        %mul3A_145 = arith.muli %add3A_143, %mul3A_144 : i32
        %add3A_146 = arith.addi %add3A, %mul3A_145 : i32
        %mul3A_147 = arith.constant 128 : i32
        %mul3A_148 = arith.muli %add3A_146, %mul3A_147 : i32
        %multiple_of3A_149 = tpu.assume_multiple %mul3A_148, 128 : i32
        %dma_start3A_150 = arith.constant 1 : i32
        %dma_start3A_151 = arith.constant 1 : i32
        %dma_start3A_152 = arith.constant 0 : i32
        %dma_start3A_153 = tpu.memref_slice %arg4[%dma_start3A_151, %dma_start3A_152] : memref<2x128xi32, #tpu.memory_space<vmem>> -> memref<1x128xi32, #tpu.memory_space<vmem>>
        %dma_start3A_154 = tpu.memref_squeeze %dma_start3A_153 : memref<1x128xi32, #tpu.memory_space<vmem>> -> memref<128xi32, #tpu.memory_space<vmem>>
        %dma_start3A_155 = tpu.memref_slice %arg2[%dma_start3A_150, %multiple_of3A_149] : memref<2x320000xi32, #tpu.memory_space<hbm>> -> memref<1x128xi32, #tpu.memory_space<hbm>>
        %dma_start3A_156 = tpu.memref_squeeze %dma_start3A_155 : memref<1x128xi32, #tpu.memory_space<hbm>> -> memref<128xi32, #tpu.memory_space<hbm>>
        %dma_start3A_157 = arith.constant 0 : i32
        %dma_start3A_158 = tpu.memref_slice %arg4[%dma_start3A_151, %dma_start3A_157] : memref<2x128xi32, #tpu.memory_space<vmem>> -> memref<1x128xi32, #tpu.memory_space<vmem>>
        %dma_start3A_159 = tpu.memref_squeeze %dma_start3A_158 : memref<1x128xi32, #tpu.memory_space<vmem>> -> memref<128xi32, #tpu.memory_space<vmem>>
        %dma_start3A_160 = tpu.memref_slice %arg2[%dma_start3A_150, %multiple_of3A_149] : memref<2x320000xi32, #tpu.memory_space<hbm>> -> memref<1x128xi32, #tpu.memory_space<hbm>>
        %dma_start3A_161 = tpu.memref_squeeze %dma_start3A_160 : memref<1x128xi32, #tpu.memory_space<hbm>> -> memref<128xi32, #tpu.memory_space<hbm>>
        tpu.enqueue_dma source(%dma_start3A_161 : memref<128xi32, #tpu.memory_space<hbm>>) target(%dma_start3A_159 : memref<128xi32, #tpu.memory_space<vmem>>) target_semaphore(%arg8 : memref<!tpu.dma_semaphore, #tpu.memory_space<semaphore_mem>>)
      } else {
      }
    }
    %scan3A_69 = arith.constant 39 : i32
    %lt3A = arith.constant 4 : i32
    %lt3A_70 = arith.cmpi slt, %add3A, %lt3A : i32
    %convert_element_type3A = arith.extui %lt3A_70 : i1 to i32
    %cond3A = arith.constant 0 : i32
    %cond3A_71 = arith.cmpi ne, %convert_element_type3A, %cond3A : i32
    scf.if %cond3A_71 {
      %add3A_73 = arith.constant 2496 : i32
      %add3A_74 = arith.addi %add3A, %add3A_73 : i32
      %mul3A_75 = arith.constant 128 : i32
      %mul3A_76 = arith.muli %add3A_74, %mul3A_75 : i32
      %multiple_of3A_77 = tpu.assume_multiple %mul3A_76, 128 : i32
      %dma_wait3A = arith.constant 1 : i32
      %dma_wait3A_78 = arith.constant 0 : i32
      %dma_wait3A_79 = arith.constant 0 : i32
      %dma_wait3A_80 = tpu.memref_slice %arg4[%dma_wait3A_78, %dma_wait3A_79] : memref<2x128xi32, #tpu.memory_space<vmem>> -> memref<1x128xi32, #tpu.memory_space<vmem>>
      %dma_wait3A_81 = tpu.memref_squeeze %dma_wait3A_80 : memref<1x128xi32, #tpu.memory_space<vmem>> -> memref<128xi32, #tpu.memory_space<vmem>>
      %dma_wait3A_82 = tpu.memref_slice %arg2[%dma_wait3A, %multiple_of3A_77] : memref<2x320000xi32, #tpu.memory_space<hbm>> -> memref<1x128xi32, #tpu.memory_space<hbm>>
      %dma_wait3A_83 = tpu.memref_squeeze %dma_wait3A_82 : memref<1x128xi32, #tpu.memory_space<hbm>> -> memref<128xi32, #tpu.memory_space<hbm>>
      %dma_wait3A_84 = arith.constant 0 : i32
      %dma_wait3A_85 = tpu.memref_slice %arg4[%dma_wait3A_78, %dma_wait3A_84] : memref<2x128xi32, #tpu.memory_space<vmem>> -> memref<1x128xi32, #tpu.memory_space<vmem>>
      %dma_wait3A_86 = tpu.memref_squeeze %dma_wait3A_85 : memref<1x128xi32, #tpu.memory_space<vmem>> -> memref<128xi32, #tpu.memory_space<vmem>>
      %dma_wait3A_87 = tpu.memref_slice %arg2[%dma_wait3A, %multiple_of3A_77] : memref<2x320000xi32, #tpu.memory_space<hbm>> -> memref<1x128xi32, #tpu.memory_space<hbm>>
      %dma_wait3A_88 = tpu.memref_squeeze %dma_wait3A_87 : memref<1x128xi32, #tpu.memory_space<hbm>> -> memref<128xi32, #tpu.memory_space<hbm>>
      tpu.wait_dma2 semaphore(%arg7 : memref<!tpu.dma_semaphore, #tpu.memory_space<semaphore_mem>>) src(%dma_wait3A_88 : memref<128xi32, #tpu.memory_space<hbm>>) dst(%dma_wait3A_86 : memref<128xi32, #tpu.memory_space<vmem>>)
      %run_scoped3A = arith.constant 0 : i32
      "tpu.region"() ({
        %run_scoped3A_89 = tpu.sem_alloc : memref<!tpu.dma_semaphore, #tpu.memory_space<semaphore_mem>>
        %dma_start3A_90 = arith.constant 0 : i32
        %dma_start3A_91 = tpu.memref_slice %arg4[%run_scoped3A, %dma_start3A_90] : memref<2x128xi32, #tpu.memory_space<vmem>> -> memref<1x128xi32, #tpu.memory_space<vmem>>
        %dma_start3A_92 = tpu.memref_squeeze %dma_start3A_91 : memref<1x128xi32, #tpu.memory_space<vmem>> -> memref<128xi32, #tpu.memory_space<vmem>>
        %dma_start3A_93 = arith.constant 0 : i32
        %dma_start3A_94 = arith.constant 0 : i32
        %dma_start3A_95 = tpu.memref_slice %arg6[%dma_start3A_93, %dma_start3A_94] : memref<10112x128xf32, #tpu.memory_space<vmem_shared>> -> memref<10112x128xf32, #tpu.memory_space<vmem_shared>>
        tpu.enqueue_indirect_dma source(%arg5 : memref<128x128xf32, #tpu.memory_space<vmem>>) target(%dma_start3A_95 : memref<10112x128xf32, #tpu.memory_space<vmem_shared>>) offsets(%dma_start3A_92 : memref<128xi32, #tpu.memory_space<vmem>>) semaphore(%run_scoped3A_89 : memref<!tpu.dma_semaphore, #tpu.memory_space<semaphore_mem>>) {add = true}
        %dma_wait3A_96 = arith.constant 0 : i32
        %dma_wait3A_97 = tpu.memref_slice %arg4[%run_scoped3A, %dma_wait3A_96] : memref<2x128xi32, #tpu.memory_space<vmem>> -> memref<1x128xi32, #tpu.memory_space<vmem>>
        %dma_wait3A_98 = tpu.memref_squeeze %dma_wait3A_97 : memref<1x128xi32, #tpu.memory_space<vmem>> -> memref<128xi32, #tpu.memory_space<vmem>>
        %dma_wait3A_99 = arith.constant 0 : i32
        %dma_wait3A_100 = arith.constant 0 : i32
        %dma_wait3A_101 = tpu.memref_slice %arg6[%dma_wait3A_99, %dma_wait3A_100] : memref<10112x128xf32, #tpu.memory_space<vmem_shared>> -> memref<10112x128xf32, #tpu.memory_space<vmem_shared>>
        tpu.wait_indirect_dma semaphore(%run_scoped3A_89 : memref<!tpu.dma_semaphore, #tpu.memory_space<semaphore_mem>>) src(%arg5 : memref<128x128xf32, #tpu.memory_space<vmem>>) dst(%dma_wait3A_101 : memref<10112x128xf32, #tpu.memory_space<vmem_shared>>)
        tpu.yield
      }) : () -> ()
    } else {
    }
    %barrier3A_72 = arith.constant 0 : index
    tpu.barrier barrier_id(%barrier3A_72)
    "tpu.region"() ({
      %run_scoped3A = tpu.sem_alloc : memref<!tpu.dma_semaphore, #tpu.memory_space<semaphore_mem>>
      %dma_start3A_73 = arith.constant 0 : i32
      %dma_start3A_74 = tpu.memref_slice %arg3[%arg0, %multiple_of3A, %dma_start3A_73] : memref<2x10112x128xf32, #tpu.memory_space<hbm>> -> memref<1x632x128xf32, #tpu.memory_space<hbm>>
      %dma_start3A_75 = tpu.memref_squeeze %dma_start3A_74 : memref<1x632x128xf32, #tpu.memory_space<hbm>> -> memref<632x128xf32, #tpu.memory_space<hbm>>
      %dma_start3A_76 = arith.constant 0 : i32
      %dma_start3A_77 = tpu.memref_slice %arg6[%multiple_of3A, %dma_start3A_76] : memref<10112x128xf32, #tpu.memory_space<vmem_shared>> -> memref<632x128xf32, #tpu.memory_space<vmem_shared>>
      tpu.enqueue_dma source(%dma_start3A_77 : memref<632x128xf32, #tpu.memory_space<vmem_shared>>) target(%dma_start3A_75 : memref<632x128xf32, #tpu.memory_space<hbm>>) target_semaphore(%run_scoped3A : memref<!tpu.dma_semaphore, #tpu.memory_space<semaphore_mem>>)
      %dma_wait3A = arith.constant 0 : i32
      %dma_wait3A_78 = tpu.memref_slice %arg3[%arg0, %multiple_of3A, %dma_wait3A] : memref<2x10112x128xf32, #tpu.memory_space<hbm>> -> memref<1x632x128xf32, #tpu.memory_space<hbm>>
      %dma_wait3A_79 = tpu.memref_squeeze %dma_wait3A_78 : memref<1x632x128xf32, #tpu.memory_space<hbm>> -> memref<632x128xf32, #tpu.memory_space<hbm>>
      %dma_wait3A_80 = arith.constant 0 : i32
      %dma_wait3A_81 = tpu.memref_slice %arg6[%multiple_of3A, %dma_wait3A_80] : memref<10112x128xf32, #tpu.memory_space<vmem_shared>> -> memref<632x128xf32, #tpu.memory_space<vmem_shared>>
      tpu.wait_dma2 semaphore(%run_scoped3A : memref<!tpu.dma_semaphore, #tpu.memory_space<semaphore_mem>>) src(%dma_wait3A_81 : memref<632x128xf32, #tpu.memory_space<vmem_shared>>) dst(%dma_wait3A_79 : memref<632x128xf32, #tpu.memory_space<hbm>>)
      tpu.yield
    }) : () -> ()
    return
  }
}

#map = affine_map<(d0, d1) -> (0, 0)>
#map1 = affine_map<(d0, d1) -> (0, 0, 0)>
module attributes {stable_mosaic.version = 14 : i64} {
  func.func @_sc_agg_body(%arg0: i32, %arg1: i32, %arg2: memref<10000x128xf32, #tpu.memory_space<hbm>>, %arg3: memref<2x320000xi32, #tpu.memory_space<hbm>>, %arg4: memref<2x10112x128xf32, #tpu.memory_space<hbm>>, %arg5: memref<2x128xi32, #tpu.memory_space<vmem>>, %arg6: memref<2x128xi32, #tpu.memory_space<vmem>>, %arg7: memref<2x128x128xf32, #tpu.memory_space<vmem>>, %arg8: memref<104x128xf32, #tpu.memory_space<vmem>>, %arg9: memref<10112x128xf32, #tpu.memory_space<vmem_shared>>, %arg10: memref<!tpu.dma_semaphore, #tpu.memory_space<semaphore_mem>>, %arg11: memref<!tpu.dma_semaphore, #tpu.memory_space<semaphore_mem>>) attributes {dimension_semantics = [#tpu.dimension_semantics<core_parallel>, #tpu.dimension_semantics<subcore_parallel>], iteration_bounds = array<i64: 2, 16>, scalar_prefetch = 0 : i64, scratch_operands = 7 : i64, tpu.core_type = #tpu.core_type<sc_vector_subcore>, window_params = [{transform_indices = #map}, {transform_indices = #map}, {transform_indices = #map1}]} {
    %mul3A = arith.constant 16 : i32
    %mul3A_0 = arith.muli %arg0, %mul3A : i32
    %add3A = arith.addi %mul3A_0, %arg1 : i32
    %broadcast_in_dim3A = arith.constant 0.000000e+00 : f32
    %broadcast_in_dim3A_1 = vector.broadcast %broadcast_in_dim3A : f32 to vector<16xf32>
    %scan3A = arith.constant 0 : i32
    %scan3A_2 = arith.constant 0 : i32
    %scan3A_3 = arith.constant 832 : i32
    %scan3A_4 = arith.addi %scan3A_2, %scan3A_3 : i32
    %scan3A_5 = arith.constant 1 : i32
    scf.for %scan3A_72 = %scan3A_2 to %scan3A_4 step %scan3A_5  : i32 {
      %jit3A = arith.constant 8 : i32
      %div3A = arith.divsi %scan3A_72, %jit3A : i32
      %sign3A = arith.constant 0 : i32
      %sign3A_73 = arith.cmpi sgt, %scan3A_72, %sign3A : i32
      %sign3A_74 = arith.extui %sign3A_73 : i1 to i32
      %sign3A_75 = arith.constant 0 : i32
      %sign3A_76 = arith.cmpi slt, %scan3A_72, %sign3A_75 : i32
      %sign3A_77 = arith.extui %sign3A_76 : i1 to i32
      %sign3A_78 = arith.subi %sign3A_74, %sign3A_77 : i32
      %sign3A_79 = arith.constant 0 : i32
      %sign3A_80 = arith.cmpi sgt, %jit3A, %sign3A_79 : i32
      %sign3A_81 = arith.extui %sign3A_80 : i1 to i32
      %sign3A_82 = arith.constant 0 : i32
      %sign3A_83 = arith.cmpi slt, %jit3A, %sign3A_82 : i32
      %sign3A_84 = arith.extui %sign3A_83 : i1 to i32
      %sign3A_85 = arith.subi %sign3A_81, %sign3A_84 : i32
      %ne3A = arith.cmpi ne, %sign3A_78, %sign3A_85 : i32
      %rem3A = arith.remsi %scan3A_72, %jit3A : i32
      %ne3A_86 = arith.constant 0 : i32
      %ne3A_87 = arith.cmpi ne, %rem3A, %ne3A_86 : i32
      %and3A = arith.andi %ne3A, %ne3A_87 : i1
      %sub3A = arith.constant 1 : i32
      %sub3A_88 = arith.subi %div3A, %sub3A : i32
      %select_n3A = arith.select %and3A, %sub3A_88, %div3A : i32
      %jit3A_89 = arith.constant 8 : i32
      %eq3A = arith.constant 0 : i32
      %eq3A_90 = arith.cmpi eq, %jit3A_89, %eq3A : i32
      %jit3A_91 = arith.constant 1 : i32
      %select_n3A_92 = arith.select %eq3A_90, %jit3A_91, %jit3A_89 : i32
      %rem3A_93 = arith.remsi %scan3A_72, %select_n3A_92 : i32
      %ne3A_94 = arith.constant 0 : i32
      %ne3A_95 = arith.cmpi ne, %rem3A_93, %ne3A_94 : i32
      %lt3A_96 = arith.constant 0 : i32
      %lt3A_97 = arith.cmpi slt, %rem3A_93, %lt3A_96 : i32
      %lt3A_98 = arith.constant 0 : i32
      %lt3A_99 = arith.cmpi slt, %select_n3A_92, %lt3A_98 : i32
      %ne3A_100 = arith.xori %lt3A_97, %lt3A_99 : i1
      %and3A_101 = arith.andi %ne3A_100, %ne3A_95 : i1
      %add3A_102 = arith.addi %rem3A_93, %select_n3A_92 : i32
      %select_n3A_103 = arith.select %and3A_101, %add3A_102, %rem3A_93 : i32
      %mul3A_104 = arith.constant 16 : i32
      %mul3A_105 = arith.muli %select_n3A_103, %mul3A_104 : i32
      %swap3A = arith.index_cast %select_n3A : i32 to index
      %swap3A_106 = arith.index_cast %mul3A_105 : i32 to index
      %swap3A_107 = tpu.vector_load %arg8[%swap3A, %swap3A_106] {strides = array<i32>} : memref<104x128xf32, #tpu.memory_space<vmem>>, vector<1x16xf32>,
      %swap3A_108 = vector.shape_cast %swap3A_107 : vector<1x16xf32> to vector<16xf32>
      %swap3A_109 = vector.shape_cast %broadcast_in_dim3A_1 : vector<16xf32> to vector<1x16xf32>
      tpu.vector_store %arg8[%swap3A, %swap3A_106], %swap3A_109 {strides = array<i32>} : memref<104x128xf32, #tpu.memory_space<vmem>>, vector<1x16xf32>,
    }
    %scan3A_6 = arith.constant 832 : i32
    %mul3A_7 = arith.constant 632 : i32
    %mul3A_8 = arith.muli %arg1, %mul3A_7 : i32
    %multiple_of3A = tpu.assume_multiple %mul3A_8, 8 : i32
    %add3A_9 = arith.constant 0 : i32
    %add3A_10 = arith.addi %multiple_of3A, %add3A_9 : i32
    "tpu.region"() ({
      %run_scoped3A_72 = tpu.sem_alloc : memref<!tpu.dma_semaphore, #tpu.memory_space<semaphore_mem>>
      %dma_start3A_73 = arith.constant 0 : i32
      %dma_start3A_74 = tpu.memref_slice %arg9[%add3A_10, %dma_start3A_73] : memref<10112x128xf32, #tpu.memory_space<vmem_shared>> -> memref<104x128xf32, #tpu.memory_space<vmem_shared>>
      %dma_start3A_75 = arith.constant 0 : i32
      %dma_start3A_76 = tpu.memref_slice %arg9[%add3A_10, %dma_start3A_75] : memref<10112x128xf32, #tpu.memory_space<vmem_shared>> -> memref<104x128xf32, #tpu.memory_space<vmem_shared>>
      tpu.enqueue_dma source(%arg8 : memref<104x128xf32, #tpu.memory_space<vmem>>) target(%dma_start3A_76 : memref<104x128xf32, #tpu.memory_space<vmem_shared>>) target_semaphore(%run_scoped3A_72 : memref<!tpu.dma_semaphore, #tpu.memory_space<semaphore_mem>>)
      %dma_wait3A = arith.constant 0 : i32
      %dma_wait3A_77 = tpu.memref_slice %arg9[%add3A_10, %dma_wait3A] : memref<10112x128xf32, #tpu.memory_space<vmem_shared>> -> memref<104x128xf32, #tpu.memory_space<vmem_shared>>
      %dma_wait3A_78 = arith.constant 0 : i32
      %dma_wait3A_79 = tpu.memref_slice %arg9[%add3A_10, %dma_wait3A_78] : memref<10112x128xf32, #tpu.memory_space<vmem_shared>> -> memref<104x128xf32, #tpu.memory_space<vmem_shared>>
      tpu.wait_dma2 semaphore(%run_scoped3A_72 : memref<!tpu.dma_semaphore, #tpu.memory_space<semaphore_mem>>) src(%arg8 : memref<104x128xf32, #tpu.memory_space<vmem>>) dst(%dma_wait3A_79 : memref<104x128xf32, #tpu.memory_space<vmem_shared>>)
      tpu.yield
    }) : () -> ()
    %add3A_11 = arith.constant 104 : i32
    %add3A_12 = arith.addi %multiple_of3A, %add3A_11 : i32
    "tpu.region"() ({
      %run_scoped3A_72 = tpu.sem_alloc : memref<!tpu.dma_semaphore, #tpu.memory_space<semaphore_mem>>
      %dma_start3A_73 = arith.constant 0 : i32
      %dma_start3A_74 = tpu.memref_slice %arg9[%add3A_12, %dma_start3A_73] : memref<10112x128xf32, #tpu.memory_space<vmem_shared>> -> memref<104x128xf32, #tpu.memory_space<vmem_shared>>
      %dma_start3A_75 = arith.constant 0 : i32
      %dma_start3A_76 = tpu.memref_slice %arg9[%add3A_12, %dma_start3A_75] : memref<10112x128xf32, #tpu.memory_space<vmem_shared>> -> memref<104x128xf32, #tpu.memory_space<vmem_shared>>
      tpu.enqueue_dma source(%arg8 : memref<104x128xf32, #tpu.memory_space<vmem>>) target(%dma_start3A_76 : memref<104x128xf32, #tpu.memory_space<vmem_shared>>) target_semaphore(%run_scoped3A_72 : memref<!tpu.dma_semaphore, #tpu.memory_space<semaphore_mem>>)
      %dma_wait3A = arith.constant 0 : i32
      %dma_wait3A_77 = tpu.memref_slice %arg9[%add3A_12, %dma_wait3A] : memref<10112x128xf32, #tpu.memory_space<vmem_shared>> -> memref<104x128xf32, #tpu.memory_space<vmem_shared>>
      %dma_wait3A_78 = arith.constant 0 : i32
      %dma_wait3A_79 = tpu.memref_slice %arg9[%add3A_12, %dma_wait3A_78] : memref<10112x128xf32, #tpu.memory_space<vmem_shared>> -> memref<104x128xf32, #tpu.memory_space<vmem_shared>>
      tpu.wait_dma2 semaphore(%run_scoped3A_72 : memref<!tpu.dma_semaphore, #tpu.memory_space<semaphore_mem>>) src(%arg8 : memref<104x128xf32, #tpu.memory_space<vmem>>) dst(%dma_wait3A_79 : memref<104x128xf32, #tpu.memory_space<vmem_shared>>)
      tpu.yield
    }) : () -> ()
    %add3A_13 = arith.constant 208 : i32
    %add3A_14 = arith.addi %multiple_of3A, %add3A_13 : i32
    "tpu.region"() ({
      %run_scoped3A_72 = tpu.sem_alloc : memref<!tpu.dma_semaphore, #tpu.memory_space<semaphore_mem>>
      %dma_start3A_73 = arith.constant 0 : i32
      %dma_start3A_74 = tpu.memref_slice %arg9[%add3A_14, %dma_start3A_73] : memref<10112x128xf32, #tpu.memory_space<vmem_shared>> -> memref<104x128xf32, #tpu.memory_space<vmem_shared>>
      %dma_start3A_75 = arith.constant 0 : i32
      %dma_start3A_76 = tpu.memref_slice %arg9[%add3A_14, %dma_start3A_75] : memref<10112x128xf32, #tpu.memory_space<vmem_shared>> -> memref<104x128xf32, #tpu.memory_space<vmem_shared>>
      tpu.enqueue_dma source(%arg8 : memref<104x128xf32, #tpu.memory_space<vmem>>) target(%dma_start3A_76 : memref<104x128xf32, #tpu.memory_space<vmem_shared>>) target_semaphore(%run_scoped3A_72 : memref<!tpu.dma_semaphore, #tpu.memory_space<semaphore_mem>>)
      %dma_wait3A = arith.constant 0 : i32
      %dma_wait3A_77 = tpu.memref_slice %arg9[%add3A_14, %dma_wait3A] : memref<10112x128xf32, #tpu.memory_space<vmem_shared>> -> memref<104x128xf32, #tpu.memory_space<vmem_shared>>
      %dma_wait3A_78 = arith.constant 0 : i32
      %dma_wait3A_79 = tpu.memref_slice %arg9[%add3A_14, %dma_wait3A_78] : memref<10112x128xf32, #tpu.memory_space<vmem_shared>> -> memref<104x128xf32, #tpu.memory_space<vmem_shared>>
      tpu.wait_dma2 semaphore(%run_scoped3A_72 : memref<!tpu.dma_semaphore, #tpu.memory_space<semaphore_mem>>) src(%arg8 : memref<104x128xf32, #tpu.memory_space<vmem>>) dst(%dma_wait3A_79 : memref<104x128xf32, #tpu.memory_space<vmem_shared>>)
      tpu.yield
    }) : () -> ()
    %add3A_15 = arith.constant 312 : i32
    %add3A_16 = arith.addi %multiple_of3A, %add3A_15 : i32
    "tpu.region"() ({
      %run_scoped3A_72 = tpu.sem_alloc : memref<!tpu.dma_semaphore, #tpu.memory_space<semaphore_mem>>
      %dma_start3A_73 = arith.constant 0 : i32
      %dma_start3A_74 = tpu.memref_slice %arg9[%add3A_16, %dma_start3A_73] : memref<10112x128xf32, #tpu.memory_space<vmem_shared>> -> memref<104x128xf32, #tpu.memory_space<vmem_shared>>
      %dma_start3A_75 = arith.constant 0 : i32
      %dma_start3A_76 = tpu.memref_slice %arg9[%add3A_16, %dma_start3A_75] : memref<10112x128xf32, #tpu.memory_space<vmem_shared>> -> memref<104x128xf32, #tpu.memory_space<vmem_shared>>
      tpu.enqueue_dma source(%arg8 : memref<104x128xf32, #tpu.memory_space<vmem>>) target(%dma_start3A_76 : memref<104x128xf32, #tpu.memory_space<vmem_shared>>) target_semaphore(%run_scoped3A_72 : memref<!tpu.dma_semaphore, #tpu.memory_space<semaphore_mem>>)
      %dma_wait3A = arith.constant 0 : i32
      %dma_wait3A_77 = tpu.memref_slice %arg9[%add3A_16, %dma_wait3A] : memref<10112x128xf32, #tpu.memory_space<vmem_shared>> -> memref<104x128xf32, #tpu.memory_space<vmem_shared>>
      %dma_wait3A_78 = arith.constant 0 : i32
      %dma_wait3A_79 = tpu.memref_slice %arg9[%add3A_16, %dma_wait3A_78] : memref<10112x128xf32, #tpu.memory_space<vmem_shared>> -> memref<104x128xf32, #tpu.memory_space<vmem_shared>>
      tpu.wait_dma2 semaphore(%run_scoped3A_72 : memref<!tpu.dma_semaphore, #tpu.memory_space<semaphore_mem>>) src(%arg8 : memref<104x128xf32, #tpu.memory_space<vmem>>) dst(%dma_wait3A_79 : memref<104x128xf32, #tpu.memory_space<vmem_shared>>)
      tpu.yield
    }) : () -> ()
    %add3A_17 = arith.constant 416 : i32
    %add3A_18 = arith.addi %multiple_of3A, %add3A_17 : i32
    "tpu.region"() ({
      %run_scoped3A_72 = tpu.sem_alloc : memref<!tpu.dma_semaphore, #tpu.memory_space<semaphore_mem>>
      %dma_start3A_73 = arith.constant 0 : i32
      %dma_start3A_74 = tpu.memref_slice %arg9[%add3A_18, %dma_start3A_73] : memref<10112x128xf32, #tpu.memory_space<vmem_shared>> -> memref<104x128xf32, #tpu.memory_space<vmem_shared>>
      %dma_start3A_75 = arith.constant 0 : i32
      %dma_start3A_76 = tpu.memref_slice %arg9[%add3A_18, %dma_start3A_75] : memref<10112x128xf32, #tpu.memory_space<vmem_shared>> -> memref<104x128xf32, #tpu.memory_space<vmem_shared>>
      tpu.enqueue_dma source(%arg8 : memref<104x128xf32, #tpu.memory_space<vmem>>) target(%dma_start3A_76 : memref<104x128xf32, #tpu.memory_space<vmem_shared>>) target_semaphore(%run_scoped3A_72 : memref<!tpu.dma_semaphore, #tpu.memory_space<semaphore_mem>>)
      %dma_wait3A = arith.constant 0 : i32
      %dma_wait3A_77 = tpu.memref_slice %arg9[%add3A_18, %dma_wait3A] : memref<10112x128xf32, #tpu.memory_space<vmem_shared>> -> memref<104x128xf32, #tpu.memory_space<vmem_shared>>
      %dma_wait3A_78 = arith.constant 0 : i32
      %dma_wait3A_79 = tpu.memref_slice %arg9[%add3A_18, %dma_wait3A_78] : memref<10112x128xf32, #tpu.memory_space<vmem_shared>> -> memref<104x128xf32, #tpu.memory_space<vmem_shared>>
      tpu.wait_dma2 semaphore(%run_scoped3A_72 : memref<!tpu.dma_semaphore, #tpu.memory_space<semaphore_mem>>) src(%arg8 : memref<104x128xf32, #tpu.memory_space<vmem>>) dst(%dma_wait3A_79 : memref<104x128xf32, #tpu.memory_space<vmem_shared>>)
      tpu.yield
    }) : () -> ()
    %add3A_19 = arith.constant 520 : i32
    %add3A_20 = arith.addi %multiple_of3A, %add3A_19 : i32
    "tpu.region"() ({
      %run_scoped3A_72 = tpu.sem_alloc : memref<!tpu.dma_semaphore, #tpu.memory_space<semaphore_mem>>
      %dma_start3A_73 = arith.constant 0 : i32
      %dma_start3A_74 = tpu.memref_slice %arg9[%add3A_20, %dma_start3A_73] : memref<10112x128xf32, #tpu.memory_space<vmem_shared>> -> memref<104x128xf32, #tpu.memory_space<vmem_shared>>
      %dma_start3A_75 = arith.constant 0 : i32
      %dma_start3A_76 = tpu.memref_slice %arg9[%add3A_20, %dma_start3A_75] : memref<10112x128xf32, #tpu.memory_space<vmem_shared>> -> memref<104x128xf32, #tpu.memory_space<vmem_shared>>
      tpu.enqueue_dma source(%arg8 : memref<104x128xf32, #tpu.memory_space<vmem>>) target(%dma_start3A_76 : memref<104x128xf32, #tpu.memory_space<vmem_shared>>) target_semaphore(%run_scoped3A_72 : memref<!tpu.dma_semaphore, #tpu.memory_space<semaphore_mem>>)
      %dma_wait3A = arith.constant 0 : i32
      %dma_wait3A_77 = tpu.memref_slice %arg9[%add3A_20, %dma_wait3A] : memref<10112x128xf32, #tpu.memory_space<vmem_shared>> -> memref<104x128xf32, #tpu.memory_space<vmem_shared>>
      %dma_wait3A_78 = arith.constant 0 : i32
      %dma_wait3A_79 = tpu.memref_slice %arg9[%add3A_20, %dma_wait3A_78] : memref<10112x128xf32, #tpu.memory_space<vmem_shared>> -> memref<104x128xf32, #tpu.memory_space<vmem_shared>>
      tpu.wait_dma2 semaphore(%run_scoped3A_72 : memref<!tpu.dma_semaphore, #tpu.memory_space<semaphore_mem>>) src(%arg8 : memref<104x128xf32, #tpu.memory_space<vmem>>) dst(%dma_wait3A_79 : memref<104x128xf32, #tpu.memory_space<vmem_shared>>)
      tpu.yield
    }) : () -> ()
    %add3A_21 = arith.constant 624 : i32
    %add3A_22 = arith.addi %multiple_of3A, %add3A_21 : i32
    "tpu.region"() ({
      %run_scoped3A_72 = tpu.sem_alloc : memref<!tpu.dma_semaphore, #tpu.memory_space<semaphore_mem>>
      %dma_start3A_73 = arith.constant 0 : i32
      %dma_start3A_74 = arith.constant 0 : i32
      %dma_start3A_75 = tpu.memref_slice %arg8[%dma_start3A_73, %dma_start3A_74] : memref<104x128xf32, #tpu.memory_space<vmem>> -> memref<8x128xf32, #tpu.memory_space<vmem>>
      %dma_start3A_76 = arith.constant 0 : i32
      %dma_start3A_77 = tpu.memref_slice %arg9[%add3A_22, %dma_start3A_76] : memref<10112x128xf32, #tpu.memory_space<vmem_shared>> -> memref<8x128xf32, #tpu.memory_space<vmem_shared>>
      %dma_start3A_78 = arith.constant 0 : i32
      %dma_start3A_79 = tpu.memref_slice %arg9[%add3A_22, %dma_start3A_78] : memref<10112x128xf32, #tpu.memory_space<vmem_shared>> -> memref<8x128xf32, #tpu.memory_space<vmem_shared>>
      %dma_start3A_80 = arith.constant 0 : i32
      %dma_start3A_81 = arith.constant 0 : i32
      %dma_start3A_82 = tpu.memref_slice %arg8[%dma_start3A_80, %dma_start3A_81] : memref<104x128xf32, #tpu.memory_space<vmem>> -> memref<8x128xf32, #tpu.memory_space<vmem>>
      tpu.enqueue_dma source(%dma_start3A_82 : memref<8x128xf32, #tpu.memory_space<vmem>>) target(%dma_start3A_79 : memref<8x128xf32, #tpu.memory_space<vmem_shared>>) target_semaphore(%run_scoped3A_72 : memref<!tpu.dma_semaphore, #tpu.memory_space<semaphore_mem>>)
      %dma_wait3A = arith.constant 0 : i32
      %dma_wait3A_83 = arith.constant 0 : i32
      %dma_wait3A_84 = tpu.memref_slice %arg8[%dma_wait3A, %dma_wait3A_83] : memref<104x128xf32, #tpu.memory_space<vmem>> -> memref<8x128xf32, #tpu.memory_space<vmem>>
      %dma_wait3A_85 = arith.constant 0 : i32
      %dma_wait3A_86 = tpu.memref_slice %arg9[%add3A_22, %dma_wait3A_85] : memref<10112x128xf32, #tpu.memory_space<vmem_shared>> -> memref<8x128xf32, #tpu.memory_space<vmem_shared>>
      %dma_wait3A_87 = arith.constant 0 : i32
      %dma_wait3A_88 = tpu.memref_slice %arg9[%add3A_22, %dma_wait3A_87] : memref<10112x128xf32, #tpu.memory_space<vmem_shared>> -> memref<8x128xf32, #tpu.memory_space<vmem_shared>>
      %dma_wait3A_89 = arith.constant 0 : i32
      %dma_wait3A_90 = arith.constant 0 : i32
      %dma_wait3A_91 = tpu.memref_slice %arg8[%dma_wait3A_89, %dma_wait3A_90] : memref<104x128xf32, #tpu.memory_space<vmem>> -> memref<8x128xf32, #tpu.memory_space<vmem>>
      tpu.wait_dma2 semaphore(%run_scoped3A_72 : memref<!tpu.dma_semaphore, #tpu.memory_space<semaphore_mem>>) src(%dma_wait3A_91 : memref<8x128xf32, #tpu.memory_space<vmem>>) dst(%dma_wait3A_88 : memref<8x128xf32, #tpu.memory_space<vmem_shared>>)
      tpu.yield
    }) : () -> ()
    %barrier3A = arith.constant 0 : index
    tpu.barrier barrier_id(%barrier3A)
    %add3A_23 = arith.constant 0 : i32
    %add3A_24 = arith.addi %add3A, %add3A_23 : i32
    %mul3A_25 = arith.constant 128 : i32
    %mul3A_26 = arith.muli %add3A_24, %mul3A_25 : i32
    %multiple_of3A_27 = tpu.assume_multiple %mul3A_26, 128 : i32
    %run_scoped3A = arith.constant 0 : i32
    %run_scoped3A_28 = arith.constant 0 : i32
    "tpu.region"() ({
      %run_scoped3A_72 = tpu.sem_alloc : memref<!tpu.dma_semaphore, #tpu.memory_space<semaphore_mem>>
      %dma_start3A_73 = arith.constant 0 : i32
      %dma_start3A_74 = tpu.memref_slice %arg5[%run_scoped3A_28, %dma_start3A_73] : memref<2x128xi32, #tpu.memory_space<vmem>> -> memref<1x128xi32, #tpu.memory_space<vmem>>
      %dma_start3A_75 = tpu.memref_squeeze %dma_start3A_74 : memref<1x128xi32, #tpu.memory_space<vmem>> -> memref<128xi32, #tpu.memory_space<vmem>>
      %dma_start3A_76 = tpu.memref_slice %arg3[%run_scoped3A, %multiple_of3A_27] : memref<2x320000xi32, #tpu.memory_space<hbm>> -> memref<1x128xi32, #tpu.memory_space<hbm>>
      %dma_start3A_77 = tpu.memref_squeeze %dma_start3A_76 : memref<1x128xi32, #tpu.memory_space<hbm>> -> memref<128xi32, #tpu.memory_space<hbm>>
      %dma_start3A_78 = arith.constant 0 : i32
      %dma_start3A_79 = tpu.memref_slice %arg5[%run_scoped3A_28, %dma_start3A_78] : memref<2x128xi32, #tpu.memory_space<vmem>> -> memref<1x128xi32, #tpu.memory_space<vmem>>
      %dma_start3A_80 = tpu.memref_squeeze %dma_start3A_79 : memref<1x128xi32, #tpu.memory_space<vmem>> -> memref<128xi32, #tpu.memory_space<vmem>>
      %dma_start3A_81 = tpu.memref_slice %arg3[%run_scoped3A, %multiple_of3A_27] : memref<2x320000xi32, #tpu.memory_space<hbm>> -> memref<1x128xi32, #tpu.memory_space<hbm>>
      %dma_start3A_82 = tpu.memref_squeeze %dma_start3A_81 : memref<1x128xi32, #tpu.memory_space<hbm>> -> memref<128xi32, #tpu.memory_space<hbm>>
      tpu.enqueue_dma source(%dma_start3A_82 : memref<128xi32, #tpu.memory_space<hbm>>) target(%dma_start3A_80 : memref<128xi32, #tpu.memory_space<vmem>>) target_semaphore(%run_scoped3A_72 : memref<!tpu.dma_semaphore, #tpu.memory_space<semaphore_mem>>)
      %dma_wait3A = arith.constant 0 : i32
      %dma_wait3A_83 = tpu.memref_slice %arg5[%run_scoped3A_28, %dma_wait3A] : memref<2x128xi32, #tpu.memory_space<vmem>> -> memref<1x128xi32, #tpu.memory_space<vmem>>
      %dma_wait3A_84 = tpu.memref_squeeze %dma_wait3A_83 : memref<1x128xi32, #tpu.memory_space<vmem>> -> memref<128xi32, #tpu.memory_space<vmem>>
      %dma_wait3A_85 = tpu.memref_slice %arg3[%run_scoped3A, %multiple_of3A_27] : memref<2x320000xi32, #tpu.memory_space<hbm>> -> memref<1x128xi32, #tpu.memory_space<hbm>>
      %dma_wait3A_86 = tpu.memref_squeeze %dma_wait3A_85 : memref<1x128xi32, #tpu.memory_space<hbm>> -> memref<128xi32, #tpu.memory_space<hbm>>
      %dma_wait3A_87 = arith.constant 0 : i32
      %dma_wait3A_88 = tpu.memref_slice %arg5[%run_scoped3A_28, %dma_wait3A_87] : memref<2x128xi32, #tpu.memory_space<vmem>> -> memref<1x128xi32, #tpu.memory_space<vmem>>
      %dma_wait3A_89 = tpu.memref_squeeze %dma_wait3A_88 : memref<1x128xi32, #tpu.memory_space<vmem>> -> memref<128xi32, #tpu.memory_space<vmem>>
      %dma_wait3A_90 = tpu.memref_slice %arg3[%run_scoped3A, %multiple_of3A_27] : memref<2x320000xi32, #tpu.memory_space<hbm>> -> memref<1x128xi32, #tpu.memory_space<hbm>>
      %dma_wait3A_91 = tpu.memref_squeeze %dma_wait3A_90 : memref<1x128xi32, #tpu.memory_space<hbm>> -> memref<128xi32, #tpu.memory_space<hbm>>
      tpu.wait_dma2 semaphore(%run_scoped3A_72 : memref<!tpu.dma_semaphore, #tpu.memory_space<semaphore_mem>>) src(%dma_wait3A_91 : memref<128xi32, #tpu.memory_space<hbm>>) dst(%dma_wait3A_89 : memref<128xi32, #tpu.memory_space<vmem>>)
      tpu.yield
    }) : () -> ()
    %run_scoped3A_29 = arith.constant 1 : i32
    %run_scoped3A_30 = arith.constant 0 : i32
    "tpu.region"() ({
      %run_scoped3A_72 = tpu.sem_alloc : memref<!tpu.dma_semaphore, #tpu.memory_space<semaphore_mem>>
      %dma_start3A_73 = arith.constant 0 : i32
      %dma_start3A_74 = tpu.memref_slice %arg6[%run_scoped3A_30, %dma_start3A_73] : memref<2x128xi32, #tpu.memory_space<vmem>> -> memref<1x128xi32, #tpu.memory_space<vmem>>
      %dma_start3A_75 = tpu.memref_squeeze %dma_start3A_74 : memref<1x128xi32, #tpu.memory_space<vmem>> -> memref<128xi32, #tpu.memory_space<vmem>>
      %dma_start3A_76 = tpu.memref_slice %arg3[%run_scoped3A_29, %multiple_of3A_27] : memref<2x320000xi32, #tpu.memory_space<hbm>> -> memref<1x128xi32, #tpu.memory_space<hbm>>
      %dma_start3A_77 = tpu.memref_squeeze %dma_start3A_76 : memref<1x128xi32, #tpu.memory_space<hbm>> -> memref<128xi32, #tpu.memory_space<hbm>>
      %dma_start3A_78 = arith.constant 0 : i32
      %dma_start3A_79 = tpu.memref_slice %arg6[%run_scoped3A_30, %dma_start3A_78] : memref<2x128xi32, #tpu.memory_space<vmem>> -> memref<1x128xi32, #tpu.memory_space<vmem>>
      %dma_start3A_80 = tpu.memref_squeeze %dma_start3A_79 : memref<1x128xi32, #tpu.memory_space<vmem>> -> memref<128xi32, #tpu.memory_space<vmem>>
      %dma_start3A_81 = tpu.memref_slice %arg3[%run_scoped3A_29, %multiple_of3A_27] : memref<2x320000xi32, #tpu.memory_space<hbm>> -> memref<1x128xi32, #tpu.memory_space<hbm>>
      %dma_start3A_82 = tpu.memref_squeeze %dma_start3A_81 : memref<1x128xi32, #tpu.memory_space<hbm>> -> memref<128xi32, #tpu.memory_space<hbm>>
      tpu.enqueue_dma source(%dma_start3A_82 : memref<128xi32, #tpu.memory_space<hbm>>) target(%dma_start3A_80 : memref<128xi32, #tpu.memory_space<vmem>>) target_semaphore(%run_scoped3A_72 : memref<!tpu.dma_semaphore, #tpu.memory_space<semaphore_mem>>)
      %dma_wait3A = arith.constant 0 : i32
      %dma_wait3A_83 = tpu.memref_slice %arg6[%run_scoped3A_30, %dma_wait3A] : memref<2x128xi32, #tpu.memory_space<vmem>> -> memref<1x128xi32, #tpu.memory_space<vmem>>
      %dma_wait3A_84 = tpu.memref_squeeze %dma_wait3A_83 : memref<1x128xi32, #tpu.memory_space<vmem>> -> memref<128xi32, #tpu.memory_space<vmem>>
      %dma_wait3A_85 = tpu.memref_slice %arg3[%run_scoped3A_29, %multiple_of3A_27] : memref<2x320000xi32, #tpu.memory_space<hbm>> -> memref<1x128xi32, #tpu.memory_space<hbm>>
      %dma_wait3A_86 = tpu.memref_squeeze %dma_wait3A_85 : memref<1x128xi32, #tpu.memory_space<hbm>> -> memref<128xi32, #tpu.memory_space<hbm>>
      %dma_wait3A_87 = arith.constant 0 : i32
      %dma_wait3A_88 = tpu.memref_slice %arg6[%run_scoped3A_30, %dma_wait3A_87] : memref<2x128xi32, #tpu.memory_space<vmem>> -> memref<1x128xi32, #tpu.memory_space<vmem>>
      %dma_wait3A_89 = tpu.memref_squeeze %dma_wait3A_88 : memref<1x128xi32, #tpu.memory_space<vmem>> -> memref<128xi32, #tpu.memory_space<vmem>>
      %dma_wait3A_90 = tpu.memref_slice %arg3[%run_scoped3A_29, %multiple_of3A_27] : memref<2x320000xi32, #tpu.memory_space<hbm>> -> memref<1x128xi32, #tpu.memory_space<hbm>>
      %dma_wait3A_91 = tpu.memref_squeeze %dma_wait3A_90 : memref<1x128xi32, #tpu.memory_space<hbm>> -> memref<128xi32, #tpu.memory_space<hbm>>
      tpu.wait_dma2 semaphore(%run_scoped3A_72 : memref<!tpu.dma_semaphore, #tpu.memory_space<semaphore_mem>>) src(%dma_wait3A_91 : memref<128xi32, #tpu.memory_space<hbm>>) dst(%dma_wait3A_89 : memref<128xi32, #tpu.memory_space<vmem>>)
      tpu.yield
    }) : () -> ()
    %dma_start3A = arith.constant 0 : i32
    %dma_start3A_31 = arith.constant 0 : i32
    %dma_start3A_32 = arith.constant 0 : i32
    %dma_start3A_33 = arith.constant 0 : i32
    %dma_start3A_34 = tpu.memref_slice %arg7[%dma_start3A_31, %dma_start3A_32, %dma_start3A_33] : memref<2x128x128xf32, #tpu.memory_space<vmem>> -> memref<1x128x128xf32, #tpu.memory_space<vmem>>
    %dma_start3A_35 = tpu.memref_squeeze %dma_start3A_34 : memref<1x128x128xf32, #tpu.memory_space<vmem>> -> memref<128x128xf32, #tpu.memory_space<vmem>>
    %dma_start3A_36 = arith.constant 0 : i32
    %dma_start3A_37 = tpu.memref_slice %arg5[%dma_start3A, %dma_start3A_36] : memref<2x128xi32, #tpu.memory_space<vmem>> -> memref<1x128xi32, #tpu.memory_space<vmem>>
    %dma_start3A_38 = tpu.memref_squeeze %dma_start3A_37 : memref<1x128xi32, #tpu.memory_space<vmem>> -> memref<128xi32, #tpu.memory_space<vmem>>
    %dma_start3A_39 = arith.constant 0 : i32
    %dma_start3A_40 = arith.constant 0 : i32
    %dma_start3A_41 = tpu.memref_slice %arg2[%dma_start3A_39, %dma_start3A_40] : memref<10000x128xf32, #tpu.memory_space<hbm>> -> memref<10000x128xf32, #tpu.memory_space<hbm>>
    tpu.enqueue_indirect_dma source(%dma_start3A_41 : memref<10000x128xf32, #tpu.memory_space<hbm>>) target(%dma_start3A_35 : memref<128x128xf32, #tpu.memory_space<vmem>>) offsets(%dma_start3A_38 : memref<128xi32, #tpu.memory_space<vmem>>) semaphore(%arg10 : memref<!tpu.dma_semaphore, #tpu.memory_space<semaphore_mem>>)
    %add3A_42 = arith.constant 32 : i32
    %add3A_43 = arith.addi %add3A, %add3A_42 : i32
    %mul3A_44 = arith.constant 128 : i32
    %mul3A_45 = arith.muli %add3A_43, %mul3A_44 : i32
    %multiple_of3A_46 = tpu.assume_multiple %mul3A_45, 128 : i32
    %run_scoped3A_47 = arith.constant 0 : i32
    %run_scoped3A_48 = arith.constant 1 : i32
    "tpu.region"() ({
      %run_scoped3A_72 = tpu.sem_alloc : memref<!tpu.dma_semaphore, #tpu.memory_space<semaphore_mem>>
      %dma_start3A_73 = arith.constant 0 : i32
      %dma_start3A_74 = tpu.memref_slice %arg5[%run_scoped3A_48, %dma_start3A_73] : memref<2x128xi32, #tpu.memory_space<vmem>> -> memref<1x128xi32, #tpu.memory_space<vmem>>
      %dma_start3A_75 = tpu.memref_squeeze %dma_start3A_74 : memref<1x128xi32, #tpu.memory_space<vmem>> -> memref<128xi32, #tpu.memory_space<vmem>>
      %dma_start3A_76 = tpu.memref_slice %arg3[%run_scoped3A_47, %multiple_of3A_46] : memref<2x320000xi32, #tpu.memory_space<hbm>> -> memref<1x128xi32, #tpu.memory_space<hbm>>
      %dma_start3A_77 = tpu.memref_squeeze %dma_start3A_76 : memref<1x128xi32, #tpu.memory_space<hbm>> -> memref<128xi32, #tpu.memory_space<hbm>>
      %dma_start3A_78 = arith.constant 0 : i32
      %dma_start3A_79 = tpu.memref_slice %arg5[%run_scoped3A_48, %dma_start3A_78] : memref<2x128xi32, #tpu.memory_space<vmem>> -> memref<1x128xi32, #tpu.memory_space<vmem>>
      %dma_start3A_80 = tpu.memref_squeeze %dma_start3A_79 : memref<1x128xi32, #tpu.memory_space<vmem>> -> memref<128xi32, #tpu.memory_space<vmem>>
      %dma_start3A_81 = tpu.memref_slice %arg3[%run_scoped3A_47, %multiple_of3A_46] : memref<2x320000xi32, #tpu.memory_space<hbm>> -> memref<1x128xi32, #tpu.memory_space<hbm>>
      %dma_start3A_82 = tpu.memref_squeeze %dma_start3A_81 : memref<1x128xi32, #tpu.memory_space<hbm>> -> memref<128xi32, #tpu.memory_space<hbm>>
      tpu.enqueue_dma source(%dma_start3A_82 : memref<128xi32, #tpu.memory_space<hbm>>) target(%dma_start3A_80 : memref<128xi32, #tpu.memory_space<vmem>>) target_semaphore(%run_scoped3A_72 : memref<!tpu.dma_semaphore, #tpu.memory_space<semaphore_mem>>)
      %dma_wait3A = arith.constant 0 : i32
      %dma_wait3A_83 = tpu.memref_slice %arg5[%run_scoped3A_48, %dma_wait3A] : memref<2x128xi32, #tpu.memory_space<vmem>> -> memref<1x128xi32, #tpu.memory_space<vmem>>
      %dma_wait3A_84 = tpu.memref_squeeze %dma_wait3A_83 : memref<1x128xi32, #tpu.memory_space<vmem>> -> memref<128xi32, #tpu.memory_space<vmem>>
      %dma_wait3A_85 = tpu.memref_slice %arg3[%run_scoped3A_47, %multiple_of3A_46] : memref<2x320000xi32, #tpu.memory_space<hbm>> -> memref<1x128xi32, #tpu.memory_space<hbm>>
      %dma_wait3A_86 = tpu.memref_squeeze %dma_wait3A_85 : memref<1x128xi32, #tpu.memory_space<hbm>> -> memref<128xi32, #tpu.memory_space<hbm>>
      %dma_wait3A_87 = arith.constant 0 : i32
      %dma_wait3A_88 = tpu.memref_slice %arg5[%run_scoped3A_48, %dma_wait3A_87] : memref<2x128xi32, #tpu.memory_space<vmem>> -> memref<1x128xi32, #tpu.memory_space<vmem>>
      %dma_wait3A_89 = tpu.memref_squeeze %dma_wait3A_88 : memref<1x128xi32, #tpu.memory_space<vmem>> -> memref<128xi32, #tpu.memory_space<vmem>>
      %dma_wait3A_90 = tpu.memref_slice %arg3[%run_scoped3A_47, %multiple_of3A_46] : memref<2x320000xi32, #tpu.memory_space<hbm>> -> memref<1x128xi32, #tpu.memory_space<hbm>>
      %dma_wait3A_91 = tpu.memref_squeeze %dma_wait3A_90 : memref<1x128xi32, #tpu.memory_space<hbm>> -> memref<128xi32, #tpu.memory_space<hbm>>
      tpu.wait_dma2 semaphore(%run_scoped3A_72 : memref<!tpu.dma_semaphore, #tpu.memory_space<semaphore_mem>>) src(%dma_wait3A_91 : memref<128xi32, #tpu.memory_space<hbm>>) dst(%dma_wait3A_89 : memref<128xi32, #tpu.memory_space<vmem>>)
      tpu.yield
    }) : () -> ()
    %run_scoped3A_49 = arith.constant 1 : i32
    %run_scoped3A_50 = arith.constant 1 : i32
    "tpu.region"() ({
      %run_scoped3A_72 = tpu.sem_alloc : memref<!tpu.dma_semaphore, #tpu.memory_space<semaphore_mem>>
      %dma_start3A_73 = arith.constant 0 : i32
      %dma_start3A_74 = tpu.memref_slice %arg6[%run_scoped3A_50, %dma_start3A_73] : memref<2x128xi32, #tpu.memory_space<vmem>> -> memref<1x128xi32, #tpu.memory_space<vmem>>
      %dma_start3A_75 = tpu.memref_squeeze %dma_start3A_74 : memref<1x128xi32, #tpu.memory_space<vmem>> -> memref<128xi32, #tpu.memory_space<vmem>>
      %dma_start3A_76 = tpu.memref_slice %arg3[%run_scoped3A_49, %multiple_of3A_46] : memref<2x320000xi32, #tpu.memory_space<hbm>> -> memref<1x128xi32, #tpu.memory_space<hbm>>
      %dma_start3A_77 = tpu.memref_squeeze %dma_start3A_76 : memref<1x128xi32, #tpu.memory_space<hbm>> -> memref<128xi32, #tpu.memory_space<hbm>>
      %dma_start3A_78 = arith.constant 0 : i32
      %dma_start3A_79 = tpu.memref_slice %arg6[%run_scoped3A_50, %dma_start3A_78] : memref<2x128xi32, #tpu.memory_space<vmem>> -> memref<1x128xi32, #tpu.memory_space<vmem>>
      %dma_start3A_80 = tpu.memref_squeeze %dma_start3A_79 : memref<1x128xi32, #tpu.memory_space<vmem>> -> memref<128xi32, #tpu.memory_space<vmem>>
      %dma_start3A_81 = tpu.memref_slice %arg3[%run_scoped3A_49, %multiple_of3A_46] : memref<2x320000xi32, #tpu.memory_space<hbm>> -> memref<1x128xi32, #tpu.memory_space<hbm>>
      %dma_start3A_82 = tpu.memref_squeeze %dma_start3A_81 : memref<1x128xi32, #tpu.memory_space<hbm>> -> memref<128xi32, #tpu.memory_space<hbm>>
      tpu.enqueue_dma source(%dma_start3A_82 : memref<128xi32, #tpu.memory_space<hbm>>) target(%dma_start3A_80 : memref<128xi32, #tpu.memory_space<vmem>>) target_semaphore(%run_scoped3A_72 : memref<!tpu.dma_semaphore, #tpu.memory_space<semaphore_mem>>)
      %dma_wait3A = arith.constant 0 : i32
      %dma_wait3A_83 = tpu.memref_slice %arg6[%run_scoped3A_50, %dma_wait3A] : memref<2x128xi32, #tpu.memory_space<vmem>> -> memref<1x128xi32, #tpu.memory_space<vmem>>
      %dma_wait3A_84 = tpu.memref_squeeze %dma_wait3A_83 : memref<1x128xi32, #tpu.memory_space<vmem>> -> memref<128xi32, #tpu.memory_space<vmem>>
      %dma_wait3A_85 = tpu.memref_slice %arg3[%run_scoped3A_49, %multiple_of3A_46] : memref<2x320000xi32, #tpu.memory_space<hbm>> -> memref<1x128xi32, #tpu.memory_space<hbm>>
      %dma_wait3A_86 = tpu.memref_squeeze %dma_wait3A_85 : memref<1x128xi32, #tpu.memory_space<hbm>> -> memref<128xi32, #tpu.memory_space<hbm>>
      %dma_wait3A_87 = arith.constant 0 : i32
      %dma_wait3A_88 = tpu.memref_slice %arg6[%run_scoped3A_50, %dma_wait3A_87] : memref<2x128xi32, #tpu.memory_space<vmem>> -> memref<1x128xi32, #tpu.memory_space<vmem>>
      %dma_wait3A_89 = tpu.memref_squeeze %dma_wait3A_88 : memref<1x128xi32, #tpu.memory_space<vmem>> -> memref<128xi32, #tpu.memory_space<vmem>>
      %dma_wait3A_90 = tpu.memref_slice %arg3[%run_scoped3A_49, %multiple_of3A_46] : memref<2x320000xi32, #tpu.memory_space<hbm>> -> memref<1x128xi32, #tpu.memory_space<hbm>>
      %dma_wait3A_91 = tpu.memref_squeeze %dma_wait3A_90 : memref<1x128xi32, #tpu.memory_space<hbm>> -> memref<128xi32, #tpu.memory_space<hbm>>
      tpu.wait_dma2 semaphore(%run_scoped3A_72 : memref<!tpu.dma_semaphore, #tpu.memory_space<semaphore_mem>>) src(%dma_wait3A_91 : memref<128xi32, #tpu.memory_space<hbm>>) dst(%dma_wait3A_89 : memref<128xi32, #tpu.memory_space<vmem>>)
      tpu.yield
    }) : () -> ()
    %dma_start3A_51 = arith.constant 1 : i32
    %dma_start3A_52 = arith.constant 1 : i32
    %dma_start3A_53 = arith.constant 0 : i32
    %dma_start3A_54 = arith.constant 0 : i32
    %dma_start3A_55 = tpu.memref_slice %arg7[%dma_start3A_52, %dma_start3A_53, %dma_start3A_54] : memref<2x128x128xf32, #tpu.memory_space<vmem>> -> memref<1x128x128xf32, #tpu.memory_space<vmem>>
    %dma_start3A_56 = tpu.memref_squeeze %dma_start3A_55 : memref<1x128x128xf32, #tpu.memory_space<vmem>> -> memref<128x128xf32, #tpu.memory_space<vmem>>
    %dma_start3A_57 = arith.constant 0 : i32
    %dma_start3A_58 = tpu.memref_slice %arg5[%dma_start3A_51, %dma_start3A_57] : memref<2x128xi32, #tpu.memory_space<vmem>> -> memref<1x128xi32, #tpu.memory_space<vmem>>
    %dma_start3A_59 = tpu.memref_squeeze %dma_start3A_58 : memref<1x128xi32, #tpu.memory_space<vmem>> -> memref<128xi32, #tpu.memory_space<vmem>>
    %dma_start3A_60 = arith.constant 0 : i32
    %dma_start3A_61 = arith.constant 0 : i32
    %dma_start3A_62 = tpu.memref_slice %arg2[%dma_start3A_60, %dma_start3A_61] : memref<10000x128xf32, #tpu.memory_space<hbm>> -> memref<10000x128xf32, #tpu.memory_space<hbm>>
    tpu.enqueue_indirect_dma source(%dma_start3A_62 : memref<10000x128xf32, #tpu.memory_space<hbm>>) target(%dma_start3A_56 : memref<128x128xf32, #tpu.memory_space<vmem>>) offsets(%dma_start3A_59 : memref<128xi32, #tpu.memory_space<vmem>>) semaphore(%arg11 : memref<!tpu.dma_semaphore, #tpu.memory_space<semaphore_mem>>)
    %scan3A_63 = arith.constant 0 : i32
    %scan3A_64 = arith.constant 0 : i32
    %scan3A_65 = arith.constant 39 : i32
    %scan3A_66 = arith.addi %scan3A_64, %scan3A_65 : i32
    %scan3A_67 = arith.constant 1 : i32
    scf.for %scan3A_72 = %scan3A_64 to %scan3A_66 step %scan3A_67  : i32 {
      %mul3A_73 = arith.constant 2 : i32
      %mul3A_74 = arith.muli %scan3A_72, %mul3A_73 : i32
      %add3A_75 = arith.constant 0 : i32
      %add3A_76 = arith.addi %mul3A_74, %add3A_75 : i32
      %dma_wait3A = arith.constant 0 : i32
      %dma_wait3A_77 = arith.constant 0 : i32
      %dma_wait3A_78 = arith.constant 0 : i32
      %dma_wait3A_79 = arith.constant 0 : i32
      %dma_wait3A_80 = tpu.memref_slice %arg7[%dma_wait3A_77, %dma_wait3A_78, %dma_wait3A_79] : memref<2x128x128xf32, #tpu.memory_space<vmem>> -> memref<1x128x128xf32, #tpu.memory_space<vmem>>
      %dma_wait3A_81 = tpu.memref_squeeze %dma_wait3A_80 : memref<1x128x128xf32, #tpu.memory_space<vmem>> -> memref<128x128xf32, #tpu.memory_space<vmem>>
      %dma_wait3A_82 = arith.constant 0 : i32
      %dma_wait3A_83 = tpu.memref_slice %arg5[%dma_wait3A, %dma_wait3A_82] : memref<2x128xi32, #tpu.memory_space<vmem>> -> memref<1x128xi32, #tpu.memory_space<vmem>>
      %dma_wait3A_84 = tpu.memref_squeeze %dma_wait3A_83 : memref<1x128xi32, #tpu.memory_space<vmem>> -> memref<128xi32, #tpu.memory_space<vmem>>
      %dma_wait3A_85 = arith.constant 0 : i32
      %dma_wait3A_86 = arith.constant 0 : i32
      %dma_wait3A_87 = tpu.memref_slice %arg2[%dma_wait3A_85, %dma_wait3A_86] : memref<10000x128xf32, #tpu.memory_space<hbm>> -> memref<10000x128xf32, #tpu.memory_space<hbm>>
      tpu.wait_indirect_dma semaphore(%arg10 : memref<!tpu.dma_semaphore, #tpu.memory_space<semaphore_mem>>) src(%dma_wait3A_87 : memref<10000x128xf32, #tpu.memory_space<hbm>>) dst(%dma_wait3A_81 : memref<128x128xf32, #tpu.memory_space<vmem>>)
      %run_scoped3A_88 = arith.constant 0 : i32
      %run_scoped3A_89 = arith.constant 0 : i32
      "tpu.region"() ({
        %run_scoped3A_132 = tpu.sem_alloc : memref<!tpu.dma_semaphore, #tpu.memory_space<semaphore_mem>>
        %dma_start3A_133 = arith.constant 0 : i32
        %dma_start3A_134 = arith.constant 0 : i32
        %dma_start3A_135 = tpu.memref_slice %arg7[%run_scoped3A_88, %dma_start3A_133, %dma_start3A_134] : memref<2x128x128xf32, #tpu.memory_space<vmem>> -> memref<1x128x128xf32, #tpu.memory_space<vmem>>
        %dma_start3A_136 = tpu.memref_squeeze %dma_start3A_135 : memref<1x128x128xf32, #tpu.memory_space<vmem>> -> memref<128x128xf32, #tpu.memory_space<vmem>>
        %dma_start3A_137 = arith.constant 0 : i32
        %dma_start3A_138 = tpu.memref_slice %arg6[%run_scoped3A_89, %dma_start3A_137] : memref<2x128xi32, #tpu.memory_space<vmem>> -> memref<1x128xi32, #tpu.memory_space<vmem>>
        %dma_start3A_139 = tpu.memref_squeeze %dma_start3A_138 : memref<1x128xi32, #tpu.memory_space<vmem>> -> memref<128xi32, #tpu.memory_space<vmem>>
        %dma_start3A_140 = arith.constant 0 : i32
        %dma_start3A_141 = arith.constant 0 : i32
        %dma_start3A_142 = tpu.memref_slice %arg9[%dma_start3A_140, %dma_start3A_141] : memref<10112x128xf32, #tpu.memory_space<vmem_shared>> -> memref<10112x128xf32, #tpu.memory_space<vmem_shared>>
        tpu.enqueue_indirect_dma source(%dma_start3A_136 : memref<128x128xf32, #tpu.memory_space<vmem>>) target(%dma_start3A_142 : memref<10112x128xf32, #tpu.memory_space<vmem_shared>>) offsets(%dma_start3A_139 : memref<128xi32, #tpu.memory_space<vmem>>) semaphore(%run_scoped3A_132 : memref<!tpu.dma_semaphore, #tpu.memory_space<semaphore_mem>>) {add = true}
        %dma_wait3A_143 = arith.constant 0 : i32
        %dma_wait3A_144 = arith.constant 0 : i32
        %dma_wait3A_145 = tpu.memref_slice %arg7[%run_scoped3A_88, %dma_wait3A_143, %dma_wait3A_144] : memref<2x128x128xf32, #tpu.memory_space<vmem>> -> memref<1x128x128xf32, #tpu.memory_space<vmem>>
        %dma_wait3A_146 = tpu.memref_squeeze %dma_wait3A_145 : memref<1x128x128xf32, #tpu.memory_space<vmem>> -> memref<128x128xf32, #tpu.memory_space<vmem>>
        %dma_wait3A_147 = arith.constant 0 : i32
        %dma_wait3A_148 = tpu.memref_slice %arg6[%run_scoped3A_89, %dma_wait3A_147] : memref<2x128xi32, #tpu.memory_space<vmem>> -> memref<1x128xi32, #tpu.memory_space<vmem>>
        %dma_wait3A_149 = tpu.memref_squeeze %dma_wait3A_148 : memref<1x128xi32, #tpu.memory_space<vmem>> -> memref<128xi32, #tpu.memory_space<vmem>>
        %dma_wait3A_150 = arith.constant 0 : i32
        %dma_wait3A_151 = arith.constant 0 : i32
        %dma_wait3A_152 = tpu.memref_slice %arg9[%dma_wait3A_150, %dma_wait3A_151] : memref<10112x128xf32, #tpu.memory_space<vmem_shared>> -> memref<10112x128xf32, #tpu.memory_space<vmem_shared>>
        tpu.wait_indirect_dma semaphore(%run_scoped3A_132 : memref<!tpu.dma_semaphore, #tpu.memory_space<semaphore_mem>>) src(%dma_wait3A_146 : memref<128x128xf32, #tpu.memory_space<vmem>>) dst(%dma_wait3A_152 : memref<10112x128xf32, #tpu.memory_space<vmem_shared>>)
        tpu.yield
      }) : () -> ()
      %add3A_90 = arith.constant 2 : i32
      %add3A_91 = arith.addi %add3A_76, %add3A_90 : i32
      %lt3A_92 = arith.constant 4 : i32
      %lt3A_93 = arith.cmpi slt, %add3A, %lt3A_92 : i32
      %jit3A = arith.constant 1 : i32
      %jit3A_94 = arith.constant 0 : i32
      %select_n3A = arith.select %lt3A_93, %jit3A, %jit3A_94 : i32
      %add3A_95 = arith.constant 78 : i32
      %add3A_96 = arith.addi %add3A_95, %select_n3A : i32
      %lt3A_97 = arith.cmpi slt, %add3A_91, %add3A_96 : i32
      %convert_element_type3A_98 = arith.extui %lt3A_97 : i1 to i32
      %cond3A_99 = arith.constant 0 : i32
      %cond3A_100 = arith.cmpi ne, %convert_element_type3A_98, %cond3A_99 : i32
      scf.if %cond3A_100 {
        %add3A_132 = arith.constant 2 : i32
        %add3A_133 = arith.addi %add3A_76, %add3A_132 : i32
        %mul3A_134 = arith.constant 32 : i32
        %mul3A_135 = arith.muli %add3A_133, %mul3A_134 : i32
        %add3A_136 = arith.addi %add3A, %mul3A_135 : i32
        %mul3A_137 = arith.constant 128 : i32
        %mul3A_138 = arith.muli %add3A_136, %mul3A_137 : i32
        %multiple_of3A_139 = tpu.assume_multiple %mul3A_138, 128 : i32
        %run_scoped3A_140 = arith.constant 0 : i32
        %run_scoped3A_141 = arith.constant 0 : i32
        "tpu.region"() ({
          %run_scoped3A_156 = tpu.sem_alloc : memref<!tpu.dma_semaphore, #tpu.memory_space<semaphore_mem>>
          %dma_start3A_157 = arith.constant 0 : i32
          %dma_start3A_158 = tpu.memref_slice %arg5[%run_scoped3A_141, %dma_start3A_157] : memref<2x128xi32, #tpu.memory_space<vmem>> -> memref<1x128xi32, #tpu.memory_space<vmem>>
          %dma_start3A_159 = tpu.memref_squeeze %dma_start3A_158 : memref<1x128xi32, #tpu.memory_space<vmem>> -> memref<128xi32, #tpu.memory_space<vmem>>
          %dma_start3A_160 = tpu.memref_slice %arg3[%run_scoped3A_140, %multiple_of3A_139] : memref<2x320000xi32, #tpu.memory_space<hbm>> -> memref<1x128xi32, #tpu.memory_space<hbm>>
          %dma_start3A_161 = tpu.memref_squeeze %dma_start3A_160 : memref<1x128xi32, #tpu.memory_space<hbm>> -> memref<128xi32, #tpu.memory_space<hbm>>
          %dma_start3A_162 = arith.constant 0 : i32
          %dma_start3A_163 = tpu.memref_slice %arg5[%run_scoped3A_141, %dma_start3A_162] : memref<2x128xi32, #tpu.memory_space<vmem>> -> memref<1x128xi32, #tpu.memory_space<vmem>>
          %dma_start3A_164 = tpu.memref_squeeze %dma_start3A_163 : memref<1x128xi32, #tpu.memory_space<vmem>> -> memref<128xi32, #tpu.memory_space<vmem>>
          %dma_start3A_165 = tpu.memref_slice %arg3[%run_scoped3A_140, %multiple_of3A_139] : memref<2x320000xi32, #tpu.memory_space<hbm>> -> memref<1x128xi32, #tpu.memory_space<hbm>>
          %dma_start3A_166 = tpu.memref_squeeze %dma_start3A_165 : memref<1x128xi32, #tpu.memory_space<hbm>> -> memref<128xi32, #tpu.memory_space<hbm>>
          tpu.enqueue_dma source(%dma_start3A_166 : memref<128xi32, #tpu.memory_space<hbm>>) target(%dma_start3A_164 : memref<128xi32, #tpu.memory_space<vmem>>) target_semaphore(%run_scoped3A_156 : memref<!tpu.dma_semaphore, #tpu.memory_space<semaphore_mem>>)
          %dma_wait3A_167 = arith.constant 0 : i32
          %dma_wait3A_168 = tpu.memref_slice %arg5[%run_scoped3A_141, %dma_wait3A_167] : memref<2x128xi32, #tpu.memory_space<vmem>> -> memref<1x128xi32, #tpu.memory_space<vmem>>
          %dma_wait3A_169 = tpu.memref_squeeze %dma_wait3A_168 : memref<1x128xi32, #tpu.memory_space<vmem>> -> memref<128xi32, #tpu.memory_space<vmem>>
          %dma_wait3A_170 = tpu.memref_slice %arg3[%run_scoped3A_140, %multiple_of3A_139] : memref<2x320000xi32, #tpu.memory_space<hbm>> -> memref<1x128xi32, #tpu.memory_space<hbm>>
          %dma_wait3A_171 = tpu.memref_squeeze %dma_wait3A_170 : memref<1x128xi32, #tpu.memory_space<hbm>> -> memref<128xi32, #tpu.memory_space<hbm>>
          %dma_wait3A_172 = arith.constant 0 : i32
          %dma_wait3A_173 = tpu.memref_slice %arg5[%run_scoped3A_141, %dma_wait3A_172] : memref<2x128xi32, #tpu.memory_space<vmem>> -> memref<1x128xi32, #tpu.memory_space<vmem>>
          %dma_wait3A_174 = tpu.memref_squeeze %dma_wait3A_173 : memref<1x128xi32, #tpu.memory_space<vmem>> -> memref<128xi32, #tpu.memory_space<vmem>>
          %dma_wait3A_175 = tpu.memref_slice %arg3[%run_scoped3A_140, %multiple_of3A_139] : memref<2x320000xi32, #tpu.memory_space<hbm>> -> memref<1x128xi32, #tpu.memory_space<hbm>>
          %dma_wait3A_176 = tpu.memref_squeeze %dma_wait3A_175 : memref<1x128xi32, #tpu.memory_space<hbm>> -> memref<128xi32, #tpu.memory_space<hbm>>
          tpu.wait_dma2 semaphore(%run_scoped3A_156 : memref<!tpu.dma_semaphore, #tpu.memory_space<semaphore_mem>>) src(%dma_wait3A_176 : memref<128xi32, #tpu.memory_space<hbm>>) dst(%dma_wait3A_174 : memref<128xi32, #tpu.memory_space<vmem>>)
          tpu.yield
        }) : () -> ()
        %run_scoped3A_142 = arith.constant 1 : i32
        %run_scoped3A_143 = arith.constant 0 : i32
        "tpu.region"() ({
          %run_scoped3A_156 = tpu.sem_alloc : memref<!tpu.dma_semaphore, #tpu.memory_space<semaphore_mem>>
          %dma_start3A_157 = arith.constant 0 : i32
          %dma_start3A_158 = tpu.memref_slice %arg6[%run_scoped3A_143, %dma_start3A_157] : memref<2x128xi32, #tpu.memory_space<vmem>> -> memref<1x128xi32, #tpu.memory_space<vmem>>
          %dma_start3A_159 = tpu.memref_squeeze %dma_start3A_158 : memref<1x128xi32, #tpu.memory_space<vmem>> -> memref<128xi32, #tpu.memory_space<vmem>>
          %dma_start3A_160 = tpu.memref_slice %arg3[%run_scoped3A_142, %multiple_of3A_139] : memref<2x320000xi32, #tpu.memory_space<hbm>> -> memref<1x128xi32, #tpu.memory_space<hbm>>
          %dma_start3A_161 = tpu.memref_squeeze %dma_start3A_160 : memref<1x128xi32, #tpu.memory_space<hbm>> -> memref<128xi32, #tpu.memory_space<hbm>>
          %dma_start3A_162 = arith.constant 0 : i32
          %dma_start3A_163 = tpu.memref_slice %arg6[%run_scoped3A_143, %dma_start3A_162] : memref<2x128xi32, #tpu.memory_space<vmem>> -> memref<1x128xi32, #tpu.memory_space<vmem>>
          %dma_start3A_164 = tpu.memref_squeeze %dma_start3A_163 : memref<1x128xi32, #tpu.memory_space<vmem>> -> memref<128xi32, #tpu.memory_space<vmem>>
          %dma_start3A_165 = tpu.memref_slice %arg3[%run_scoped3A_142, %multiple_of3A_139] : memref<2x320000xi32, #tpu.memory_space<hbm>> -> memref<1x128xi32, #tpu.memory_space<hbm>>
          %dma_start3A_166 = tpu.memref_squeeze %dma_start3A_165 : memref<1x128xi32, #tpu.memory_space<hbm>> -> memref<128xi32, #tpu.memory_space<hbm>>
          tpu.enqueue_dma source(%dma_start3A_166 : memref<128xi32, #tpu.memory_space<hbm>>) target(%dma_start3A_164 : memref<128xi32, #tpu.memory_space<vmem>>) target_semaphore(%run_scoped3A_156 : memref<!tpu.dma_semaphore, #tpu.memory_space<semaphore_mem>>)
          %dma_wait3A_167 = arith.constant 0 : i32
          %dma_wait3A_168 = tpu.memref_slice %arg6[%run_scoped3A_143, %dma_wait3A_167] : memref<2x128xi32, #tpu.memory_space<vmem>> -> memref<1x128xi32, #tpu.memory_space<vmem>>
          %dma_wait3A_169 = tpu.memref_squeeze %dma_wait3A_168 : memref<1x128xi32, #tpu.memory_space<vmem>> -> memref<128xi32, #tpu.memory_space<vmem>>
          %dma_wait3A_170 = tpu.memref_slice %arg3[%run_scoped3A_142, %multiple_of3A_139] : memref<2x320000xi32, #tpu.memory_space<hbm>> -> memref<1x128xi32, #tpu.memory_space<hbm>>
          %dma_wait3A_171 = tpu.memref_squeeze %dma_wait3A_170 : memref<1x128xi32, #tpu.memory_space<hbm>> -> memref<128xi32, #tpu.memory_space<hbm>>
          %dma_wait3A_172 = arith.constant 0 : i32
          %dma_wait3A_173 = tpu.memref_slice %arg6[%run_scoped3A_143, %dma_wait3A_172] : memref<2x128xi32, #tpu.memory_space<vmem>> -> memref<1x128xi32, #tpu.memory_space<vmem>>
          %dma_wait3A_174 = tpu.memref_squeeze %dma_wait3A_173 : memref<1x128xi32, #tpu.memory_space<vmem>> -> memref<128xi32, #tpu.memory_space<vmem>>
          %dma_wait3A_175 = tpu.memref_slice %arg3[%run_scoped3A_142, %multiple_of3A_139] : memref<2x320000xi32, #tpu.memory_space<hbm>> -> memref<1x128xi32, #tpu.memory_space<hbm>>
          %dma_wait3A_176 = tpu.memref_squeeze %dma_wait3A_175 : memref<1x128xi32, #tpu.memory_space<hbm>> -> memref<128xi32, #tpu.memory_space<hbm>>
          tpu.wait_dma2 semaphore(%run_scoped3A_156 : memref<!tpu.dma_semaphore, #tpu.memory_space<semaphore_mem>>) src(%dma_wait3A_176 : memref<128xi32, #tpu.memory_space<hbm>>) dst(%dma_wait3A_174 : memref<128xi32, #tpu.memory_space<vmem>>)
          tpu.yield
        }) : () -> ()
        %dma_start3A_144 = arith.constant 0 : i32
        %dma_start3A_145 = arith.constant 0 : i32
        %dma_start3A_146 = arith.constant 0 : i32
        %dma_start3A_147 = arith.constant 0 : i32
        %dma_start3A_148 = tpu.memref_slice %arg7[%dma_start3A_145, %dma_start3A_146, %dma_start3A_147] : memref<2x128x128xf32, #tpu.memory_space<vmem>> -> memref<1x128x128xf32, #tpu.memory_space<vmem>>
        %dma_start3A_149 = tpu.memref_squeeze %dma_start3A_148 : memref<1x128x128xf32, #tpu.memory_space<vmem>> -> memref<128x128xf32, #tpu.memory_space<vmem>>
        %dma_start3A_150 = arith.constant 0 : i32
        %dma_start3A_151 = tpu.memref_slice %arg5[%dma_start3A_144, %dma_start3A_150] : memref<2x128xi32, #tpu.memory_space<vmem>> -> memref<1x128xi32, #tpu.memory_space<vmem>>
        %dma_start3A_152 = tpu.memref_squeeze %dma_start3A_151 : memref<1x128xi32, #tpu.memory_space<vmem>> -> memref<128xi32, #tpu.memory_space<vmem>>
        %dma_start3A_153 = arith.constant 0 : i32
        %dma_start3A_154 = arith.constant 0 : i32
        %dma_start3A_155 = tpu.memref_slice %arg2[%dma_start3A_153, %dma_start3A_154] : memref<10000x128xf32, #tpu.memory_space<hbm>> -> memref<10000x128xf32, #tpu.memory_space<hbm>>
        tpu.enqueue_indirect_dma source(%dma_start3A_155 : memref<10000x128xf32, #tpu.memory_space<hbm>>) target(%dma_start3A_149 : memref<128x128xf32, #tpu.memory_space<vmem>>) offsets(%dma_start3A_152 : memref<128xi32, #tpu.memory_space<vmem>>) semaphore(%arg10 : memref<!tpu.dma_semaphore, #tpu.memory_space<semaphore_mem>>)
      } else {
      }
      %mul3A_101 = arith.constant 2 : i32
      %mul3A_102 = arith.muli %scan3A_72, %mul3A_101 : i32
      %add3A_103 = arith.constant 1 : i32
      %add3A_104 = arith.addi %mul3A_102, %add3A_103 : i32
      %dma_wait3A_105 = arith.constant 1 : i32
      %dma_wait3A_106 = arith.constant 1 : i32
      %dma_wait3A_107 = arith.constant 0 : i32
      %dma_wait3A_108 = arith.constant 0 : i32
      %dma_wait3A_109 = tpu.memref_slice %arg7[%dma_wait3A_106, %dma_wait3A_107, %dma_wait3A_108] : memref<2x128x128xf32, #tpu.memory_space<vmem>> -> memref<1x128x128xf32, #tpu.memory_space<vmem>>
      %dma_wait3A_110 = tpu.memref_squeeze %dma_wait3A_109 : memref<1x128x128xf32, #tpu.memory_space<vmem>> -> memref<128x128xf32, #tpu.memory_space<vmem>>
      %dma_wait3A_111 = arith.constant 0 : i32
      %dma_wait3A_112 = tpu.memref_slice %arg5[%dma_wait3A_105, %dma_wait3A_111] : memref<2x128xi32, #tpu.memory_space<vmem>> -> memref<1x128xi32, #tpu.memory_space<vmem>>
      %dma_wait3A_113 = tpu.memref_squeeze %dma_wait3A_112 : memref<1x128xi32, #tpu.memory_space<vmem>> -> memref<128xi32, #tpu.memory_space<vmem>>
      %dma_wait3A_114 = arith.constant 0 : i32
      %dma_wait3A_115 = arith.constant 0 : i32
      %dma_wait3A_116 = tpu.memref_slice %arg2[%dma_wait3A_114, %dma_wait3A_115] : memref<10000x128xf32, #tpu.memory_space<hbm>> -> memref<10000x128xf32, #tpu.memory_space<hbm>>
      tpu.wait_indirect_dma semaphore(%arg11 : memref<!tpu.dma_semaphore, #tpu.memory_space<semaphore_mem>>) src(%dma_wait3A_116 : memref<10000x128xf32, #tpu.memory_space<hbm>>) dst(%dma_wait3A_110 : memref<128x128xf32, #tpu.memory_space<vmem>>)
      %run_scoped3A_117 = arith.constant 1 : i32
      %run_scoped3A_118 = arith.constant 1 : i32
      "tpu.region"() ({
        %run_scoped3A_132 = tpu.sem_alloc : memref<!tpu.dma_semaphore, #tpu.memory_space<semaphore_mem>>
        %dma_start3A_133 = arith.constant 0 : i32
        %dma_start3A_134 = arith.constant 0 : i32
        %dma_start3A_135 = tpu.memref_slice %arg7[%run_scoped3A_117, %dma_start3A_133, %dma_start3A_134] : memref<2x128x128xf32, #tpu.memory_space<vmem>> -> memref<1x128x128xf32, #tpu.memory_space<vmem>>
        %dma_start3A_136 = tpu.memref_squeeze %dma_start3A_135 : memref<1x128x128xf32, #tpu.memory_space<vmem>> -> memref<128x128xf32, #tpu.memory_space<vmem>>
        %dma_start3A_137 = arith.constant 0 : i32
        %dma_start3A_138 = tpu.memref_slice %arg6[%run_scoped3A_118, %dma_start3A_137] : memref<2x128xi32, #tpu.memory_space<vmem>> -> memref<1x128xi32, #tpu.memory_space<vmem>>
        %dma_start3A_139 = tpu.memref_squeeze %dma_start3A_138 : memref<1x128xi32, #tpu.memory_space<vmem>> -> memref<128xi32, #tpu.memory_space<vmem>>
        %dma_start3A_140 = arith.constant 0 : i32
        %dma_start3A_141 = arith.constant 0 : i32
        %dma_start3A_142 = tpu.memref_slice %arg9[%dma_start3A_140, %dma_start3A_141] : memref<10112x128xf32, #tpu.memory_space<vmem_shared>> -> memref<10112x128xf32, #tpu.memory_space<vmem_shared>>
        tpu.enqueue_indirect_dma source(%dma_start3A_136 : memref<128x128xf32, #tpu.memory_space<vmem>>) target(%dma_start3A_142 : memref<10112x128xf32, #tpu.memory_space<vmem_shared>>) offsets(%dma_start3A_139 : memref<128xi32, #tpu.memory_space<vmem>>) semaphore(%run_scoped3A_132 : memref<!tpu.dma_semaphore, #tpu.memory_space<semaphore_mem>>) {add = true}
        %dma_wait3A_143 = arith.constant 0 : i32
        %dma_wait3A_144 = arith.constant 0 : i32
        %dma_wait3A_145 = tpu.memref_slice %arg7[%run_scoped3A_117, %dma_wait3A_143, %dma_wait3A_144] : memref<2x128x128xf32, #tpu.memory_space<vmem>> -> memref<1x128x128xf32, #tpu.memory_space<vmem>>
        %dma_wait3A_146 = tpu.memref_squeeze %dma_wait3A_145 : memref<1x128x128xf32, #tpu.memory_space<vmem>> -> memref<128x128xf32, #tpu.memory_space<vmem>>
        %dma_wait3A_147 = arith.constant 0 : i32
        %dma_wait3A_148 = tpu.memref_slice %arg6[%run_scoped3A_118, %dma_wait3A_147] : memref<2x128xi32, #tpu.memory_space<vmem>> -> memref<1x128xi32, #tpu.memory_space<vmem>>
        %dma_wait3A_149 = tpu.memref_squeeze %dma_wait3A_148 : memref<1x128xi32, #tpu.memory_space<vmem>> -> memref<128xi32, #tpu.memory_space<vmem>>
        %dma_wait3A_150 = arith.constant 0 : i32
        %dma_wait3A_151 = arith.constant 0 : i32
        %dma_wait3A_152 = tpu.memref_slice %arg9[%dma_wait3A_150, %dma_wait3A_151] : memref<10112x128xf32, #tpu.memory_space<vmem_shared>> -> memref<10112x128xf32, #tpu.memory_space<vmem_shared>>
        tpu.wait_indirect_dma semaphore(%run_scoped3A_132 : memref<!tpu.dma_semaphore, #tpu.memory_space<semaphore_mem>>) src(%dma_wait3A_146 : memref<128x128xf32, #tpu.memory_space<vmem>>) dst(%dma_wait3A_152 : memref<10112x128xf32, #tpu.memory_space<vmem_shared>>)
        tpu.yield
      }) : () -> ()
      %add3A_119 = arith.constant 2 : i32
      %add3A_120 = arith.addi %add3A_104, %add3A_119 : i32
      %lt3A_121 = arith.constant 4 : i32
      %lt3A_122 = arith.cmpi slt, %add3A, %lt3A_121 : i32
      %jit3A_123 = arith.constant 1 : i32
      %jit3A_124 = arith.constant 0 : i32
      %select_n3A_125 = arith.select %lt3A_122, %jit3A_123, %jit3A_124 : i32
      %add3A_126 = arith.constant 78 : i32
      %add3A_127 = arith.addi %add3A_126, %select_n3A_125 : i32
      %lt3A_128 = arith.cmpi slt, %add3A_120, %add3A_127 : i32
      %convert_element_type3A_129 = arith.extui %lt3A_128 : i1 to i32
      %cond3A_130 = arith.constant 0 : i32
      %cond3A_131 = arith.cmpi ne, %convert_element_type3A_129, %cond3A_130 : i32
      scf.if %cond3A_131 {
        %add3A_132 = arith.constant 2 : i32
        %add3A_133 = arith.addi %add3A_104, %add3A_132 : i32
        %mul3A_134 = arith.constant 32 : i32
        %mul3A_135 = arith.muli %add3A_133, %mul3A_134 : i32
        %add3A_136 = arith.addi %add3A, %mul3A_135 : i32
        %mul3A_137 = arith.constant 128 : i32
        %mul3A_138 = arith.muli %add3A_136, %mul3A_137 : i32
        %multiple_of3A_139 = tpu.assume_multiple %mul3A_138, 128 : i32
        %run_scoped3A_140 = arith.constant 0 : i32
        %run_scoped3A_141 = arith.constant 1 : i32
        "tpu.region"() ({
          %run_scoped3A_156 = tpu.sem_alloc : memref<!tpu.dma_semaphore, #tpu.memory_space<semaphore_mem>>
          %dma_start3A_157 = arith.constant 0 : i32
          %dma_start3A_158 = tpu.memref_slice %arg5[%run_scoped3A_141, %dma_start3A_157] : memref<2x128xi32, #tpu.memory_space<vmem>> -> memref<1x128xi32, #tpu.memory_space<vmem>>
          %dma_start3A_159 = tpu.memref_squeeze %dma_start3A_158 : memref<1x128xi32, #tpu.memory_space<vmem>> -> memref<128xi32, #tpu.memory_space<vmem>>
          %dma_start3A_160 = tpu.memref_slice %arg3[%run_scoped3A_140, %multiple_of3A_139] : memref<2x320000xi32, #tpu.memory_space<hbm>> -> memref<1x128xi32, #tpu.memory_space<hbm>>
          %dma_start3A_161 = tpu.memref_squeeze %dma_start3A_160 : memref<1x128xi32, #tpu.memory_space<hbm>> -> memref<128xi32, #tpu.memory_space<hbm>>
          %dma_start3A_162 = arith.constant 0 : i32
          %dma_start3A_163 = tpu.memref_slice %arg5[%run_scoped3A_141, %dma_start3A_162] : memref<2x128xi32, #tpu.memory_space<vmem>> -> memref<1x128xi32, #tpu.memory_space<vmem>>
          %dma_start3A_164 = tpu.memref_squeeze %dma_start3A_163 : memref<1x128xi32, #tpu.memory_space<vmem>> -> memref<128xi32, #tpu.memory_space<vmem>>
          %dma_start3A_165 = tpu.memref_slice %arg3[%run_scoped3A_140, %multiple_of3A_139] : memref<2x320000xi32, #tpu.memory_space<hbm>> -> memref<1x128xi32, #tpu.memory_space<hbm>>
          %dma_start3A_166 = tpu.memref_squeeze %dma_start3A_165 : memref<1x128xi32, #tpu.memory_space<hbm>> -> memref<128xi32, #tpu.memory_space<hbm>>
          tpu.enqueue_dma source(%dma_start3A_166 : memref<128xi32, #tpu.memory_space<hbm>>) target(%dma_start3A_164 : memref<128xi32, #tpu.memory_space<vmem>>) target_semaphore(%run_scoped3A_156 : memref<!tpu.dma_semaphore, #tpu.memory_space<semaphore_mem>>)
          %dma_wait3A_167 = arith.constant 0 : i32
          %dma_wait3A_168 = tpu.memref_slice %arg5[%run_scoped3A_141, %dma_wait3A_167] : memref<2x128xi32, #tpu.memory_space<vmem>> -> memref<1x128xi32, #tpu.memory_space<vmem>>
          %dma_wait3A_169 = tpu.memref_squeeze %dma_wait3A_168 : memref<1x128xi32, #tpu.memory_space<vmem>> -> memref<128xi32, #tpu.memory_space<vmem>>
          %dma_wait3A_170 = tpu.memref_slice %arg3[%run_scoped3A_140, %multiple_of3A_139] : memref<2x320000xi32, #tpu.memory_space<hbm>> -> memref<1x128xi32, #tpu.memory_space<hbm>>
          %dma_wait3A_171 = tpu.memref_squeeze %dma_wait3A_170 : memref<1x128xi32, #tpu.memory_space<hbm>> -> memref<128xi32, #tpu.memory_space<hbm>>
          %dma_wait3A_172 = arith.constant 0 : i32
          %dma_wait3A_173 = tpu.memref_slice %arg5[%run_scoped3A_141, %dma_wait3A_172] : memref<2x128xi32, #tpu.memory_space<vmem>> -> memref<1x128xi32, #tpu.memory_space<vmem>>
          %dma_wait3A_174 = tpu.memref_squeeze %dma_wait3A_173 : memref<1x128xi32, #tpu.memory_space<vmem>> -> memref<128xi32, #tpu.memory_space<vmem>>
          %dma_wait3A_175 = tpu.memref_slice %arg3[%run_scoped3A_140, %multiple_of3A_139] : memref<2x320000xi32, #tpu.memory_space<hbm>> -> memref<1x128xi32, #tpu.memory_space<hbm>>
          %dma_wait3A_176 = tpu.memref_squeeze %dma_wait3A_175 : memref<1x128xi32, #tpu.memory_space<hbm>> -> memref<128xi32, #tpu.memory_space<hbm>>
          tpu.wait_dma2 semaphore(%run_scoped3A_156 : memref<!tpu.dma_semaphore, #tpu.memory_space<semaphore_mem>>) src(%dma_wait3A_176 : memref<128xi32, #tpu.memory_space<hbm>>) dst(%dma_wait3A_174 : memref<128xi32, #tpu.memory_space<vmem>>)
          tpu.yield
        }) : () -> ()
        %run_scoped3A_142 = arith.constant 1 : i32
        %run_scoped3A_143 = arith.constant 1 : i32
        "tpu.region"() ({
          %run_scoped3A_156 = tpu.sem_alloc : memref<!tpu.dma_semaphore, #tpu.memory_space<semaphore_mem>>
          %dma_start3A_157 = arith.constant 0 : i32
          %dma_start3A_158 = tpu.memref_slice %arg6[%run_scoped3A_143, %dma_start3A_157] : memref<2x128xi32, #tpu.memory_space<vmem>> -> memref<1x128xi32, #tpu.memory_space<vmem>>
          %dma_start3A_159 = tpu.memref_squeeze %dma_start3A_158 : memref<1x128xi32, #tpu.memory_space<vmem>> -> memref<128xi32, #tpu.memory_space<vmem>>
          %dma_start3A_160 = tpu.memref_slice %arg3[%run_scoped3A_142, %multiple_of3A_139] : memref<2x320000xi32, #tpu.memory_space<hbm>> -> memref<1x128xi32, #tpu.memory_space<hbm>>
          %dma_start3A_161 = tpu.memref_squeeze %dma_start3A_160 : memref<1x128xi32, #tpu.memory_space<hbm>> -> memref<128xi32, #tpu.memory_space<hbm>>
          %dma_start3A_162 = arith.constant 0 : i32
          %dma_start3A_163 = tpu.memref_slice %arg6[%run_scoped3A_143, %dma_start3A_162] : memref<2x128xi32, #tpu.memory_space<vmem>> -> memref<1x128xi32, #tpu.memory_space<vmem>>
          %dma_start3A_164 = tpu.memref_squeeze %dma_start3A_163 : memref<1x128xi32, #tpu.memory_space<vmem>> -> memref<128xi32, #tpu.memory_space<vmem>>
          %dma_start3A_165 = tpu.memref_slice %arg3[%run_scoped3A_142, %multiple_of3A_139] : memref<2x320000xi32, #tpu.memory_space<hbm>> -> memref<1x128xi32, #tpu.memory_space<hbm>>
          %dma_start3A_166 = tpu.memref_squeeze %dma_start3A_165 : memref<1x128xi32, #tpu.memory_space<hbm>> -> memref<128xi32, #tpu.memory_space<hbm>>
          tpu.enqueue_dma source(%dma_start3A_166 : memref<128xi32, #tpu.memory_space<hbm>>) target(%dma_start3A_164 : memref<128xi32, #tpu.memory_space<vmem>>) target_semaphore(%run_scoped3A_156 : memref<!tpu.dma_semaphore, #tpu.memory_space<semaphore_mem>>)
          %dma_wait3A_167 = arith.constant 0 : i32
          %dma_wait3A_168 = tpu.memref_slice %arg6[%run_scoped3A_143, %dma_wait3A_167] : memref<2x128xi32, #tpu.memory_space<vmem>> -> memref<1x128xi32, #tpu.memory_space<vmem>>
          %dma_wait3A_169 = tpu.memref_squeeze %dma_wait3A_168 : memref<1x128xi32, #tpu.memory_space<vmem>> -> memref<128xi32, #tpu.memory_space<vmem>>
          %dma_wait3A_170 = tpu.memref_slice %arg3[%run_scoped3A_142, %multiple_of3A_139] : memref<2x320000xi32, #tpu.memory_space<hbm>> -> memref<1x128xi32, #tpu.memory_space<hbm>>
          %dma_wait3A_171 = tpu.memref_squeeze %dma_wait3A_170 : memref<1x128xi32, #tpu.memory_space<hbm>> -> memref<128xi32, #tpu.memory_space<hbm>>
          %dma_wait3A_172 = arith.constant 0 : i32
          %dma_wait3A_173 = tpu.memref_slice %arg6[%run_scoped3A_143, %dma_wait3A_172] : memref<2x128xi32, #tpu.memory_space<vmem>> -> memref<1x128xi32, #tpu.memory_space<vmem>>
          %dma_wait3A_174 = tpu.memref_squeeze %dma_wait3A_173 : memref<1x128xi32, #tpu.memory_space<vmem>> -> memref<128xi32, #tpu.memory_space<vmem>>
          %dma_wait3A_175 = tpu.memref_slice %arg3[%run_scoped3A_142, %multiple_of3A_139] : memref<2x320000xi32, #tpu.memory_space<hbm>> -> memref<1x128xi32, #tpu.memory_space<hbm>>
          %dma_wait3A_176 = tpu.memref_squeeze %dma_wait3A_175 : memref<1x128xi32, #tpu.memory_space<hbm>> -> memref<128xi32, #tpu.memory_space<hbm>>
          tpu.wait_dma2 semaphore(%run_scoped3A_156 : memref<!tpu.dma_semaphore, #tpu.memory_space<semaphore_mem>>) src(%dma_wait3A_176 : memref<128xi32, #tpu.memory_space<hbm>>) dst(%dma_wait3A_174 : memref<128xi32, #tpu.memory_space<vmem>>)
          tpu.yield
        }) : () -> ()
        %dma_start3A_144 = arith.constant 1 : i32
        %dma_start3A_145 = arith.constant 1 : i32
        %dma_start3A_146 = arith.constant 0 : i32
        %dma_start3A_147 = arith.constant 0 : i32
        %dma_start3A_148 = tpu.memref_slice %arg7[%dma_start3A_145, %dma_start3A_146, %dma_start3A_147] : memref<2x128x128xf32, #tpu.memory_space<vmem>> -> memref<1x128x128xf32, #tpu.memory_space<vmem>>
        %dma_start3A_149 = tpu.memref_squeeze %dma_start3A_148 : memref<1x128x128xf32, #tpu.memory_space<vmem>> -> memref<128x128xf32, #tpu.memory_space<vmem>>
        %dma_start3A_150 = arith.constant 0 : i32
        %dma_start3A_151 = tpu.memref_slice %arg5[%dma_start3A_144, %dma_start3A_150] : memref<2x128xi32, #tpu.memory_space<vmem>> -> memref<1x128xi32, #tpu.memory_space<vmem>>
        %dma_start3A_152 = tpu.memref_squeeze %dma_start3A_151 : memref<1x128xi32, #tpu.memory_space<vmem>> -> memref<128xi32, #tpu.memory_space<vmem>>
        %dma_start3A_153 = arith.constant 0 : i32
        %dma_start3A_154 = arith.constant 0 : i32
        %dma_start3A_155 = tpu.memref_slice %arg2[%dma_start3A_153, %dma_start3A_154] : memref<10000x128xf32, #tpu.memory_space<hbm>> -> memref<10000x128xf32, #tpu.memory_space<hbm>>
        tpu.enqueue_indirect_dma source(%dma_start3A_155 : memref<10000x128xf32, #tpu.memory_space<hbm>>) target(%dma_start3A_149 : memref<128x128xf32, #tpu.memory_space<vmem>>) offsets(%dma_start3A_152 : memref<128xi32, #tpu.memory_space<vmem>>) semaphore(%arg11 : memref<!tpu.dma_semaphore, #tpu.memory_space<semaphore_mem>>)
      } else {
      }
    }
    %scan3A_68 = arith.constant 39 : i32
    %lt3A = arith.constant 4 : i32
    %lt3A_69 = arith.cmpi slt, %add3A, %lt3A : i32
    %convert_element_type3A = arith.extui %lt3A_69 : i1 to i32
    %cond3A = arith.constant 0 : i32
    %cond3A_70 = arith.cmpi ne, %convert_element_type3A, %cond3A : i32
    scf.if %cond3A_70 {
      %dma_wait3A = arith.constant 0 : i32
      %dma_wait3A_72 = arith.constant 0 : i32
      %dma_wait3A_73 = arith.constant 0 : i32
      %dma_wait3A_74 = arith.constant 0 : i32
      %dma_wait3A_75 = tpu.memref_slice %arg7[%dma_wait3A_72, %dma_wait3A_73, %dma_wait3A_74] : memref<2x128x128xf32, #tpu.memory_space<vmem>> -> memref<1x128x128xf32, #tpu.memory_space<vmem>>
      %dma_wait3A_76 = tpu.memref_squeeze %dma_wait3A_75 : memref<1x128x128xf32, #tpu.memory_space<vmem>> -> memref<128x128xf32, #tpu.memory_space<vmem>>
      %dma_wait3A_77 = arith.constant 0 : i32
      %dma_wait3A_78 = tpu.memref_slice %arg5[%dma_wait3A, %dma_wait3A_77] : memref<2x128xi32, #tpu.memory_space<vmem>> -> memref<1x128xi32, #tpu.memory_space<vmem>>
      %dma_wait3A_79 = tpu.memref_squeeze %dma_wait3A_78 : memref<1x128xi32, #tpu.memory_space<vmem>> -> memref<128xi32, #tpu.memory_space<vmem>>
      %dma_wait3A_80 = arith.constant 0 : i32
      %dma_wait3A_81 = arith.constant 0 : i32
      %dma_wait3A_82 = tpu.memref_slice %arg2[%dma_wait3A_80, %dma_wait3A_81] : memref<10000x128xf32, #tpu.memory_space<hbm>> -> memref<10000x128xf32, #tpu.memory_space<hbm>>
      tpu.wait_indirect_dma semaphore(%arg10 : memref<!tpu.dma_semaphore, #tpu.memory_space<semaphore_mem>>) src(%dma_wait3A_82 : memref<10000x128xf32, #tpu.memory_space<hbm>>) dst(%dma_wait3A_76 : memref<128x128xf32, #tpu.memory_space<vmem>>)
      %run_scoped3A_83 = arith.constant 0 : i32
      %run_scoped3A_84 = arith.constant 0 : i32
      "tpu.region"() ({
        %run_scoped3A_85 = tpu.sem_alloc : memref<!tpu.dma_semaphore, #tpu.memory_space<semaphore_mem>>
        %dma_start3A_86 = arith.constant 0 : i32
        %dma_start3A_87 = arith.constant 0 : i32
        %dma_start3A_88 = tpu.memref_slice %arg7[%run_scoped3A_83, %dma_start3A_86, %dma_start3A_87] : memref<2x128x128xf32, #tpu.memory_space<vmem>> -> memref<1x128x128xf32, #tpu.memory_space<vmem>>
        %dma_start3A_89 = tpu.memref_squeeze %dma_start3A_88 : memref<1x128x128xf32, #tpu.memory_space<vmem>> -> memref<128x128xf32, #tpu.memory_space<vmem>>
        %dma_start3A_90 = arith.constant 0 : i32
        %dma_start3A_91 = tpu.memref_slice %arg6[%run_scoped3A_84, %dma_start3A_90] : memref<2x128xi32, #tpu.memory_space<vmem>> -> memref<1x128xi32, #tpu.memory_space<vmem>>
        %dma_start3A_92 = tpu.memref_squeeze %dma_start3A_91 : memref<1x128xi32, #tpu.memory_space<vmem>> -> memref<128xi32, #tpu.memory_space<vmem>>
        %dma_start3A_93 = arith.constant 0 : i32
        %dma_start3A_94 = arith.constant 0 : i32
        %dma_start3A_95 = tpu.memref_slice %arg9[%dma_start3A_93, %dma_start3A_94] : memref<10112x128xf32, #tpu.memory_space<vmem_shared>> -> memref<10112x128xf32, #tpu.memory_space<vmem_shared>>
        tpu.enqueue_indirect_dma source(%dma_start3A_89 : memref<128x128xf32, #tpu.memory_space<vmem>>) target(%dma_start3A_95 : memref<10112x128xf32, #tpu.memory_space<vmem_shared>>) offsets(%dma_start3A_92 : memref<128xi32, #tpu.memory_space<vmem>>) semaphore(%run_scoped3A_85 : memref<!tpu.dma_semaphore, #tpu.memory_space<semaphore_mem>>) {add = true}
        %dma_wait3A_96 = arith.constant 0 : i32
        %dma_wait3A_97 = arith.constant 0 : i32
        %dma_wait3A_98 = tpu.memref_slice %arg7[%run_scoped3A_83, %dma_wait3A_96, %dma_wait3A_97] : memref<2x128x128xf32, #tpu.memory_space<vmem>> -> memref<1x128x128xf32, #tpu.memory_space<vmem>>
        %dma_wait3A_99 = tpu.memref_squeeze %dma_wait3A_98 : memref<1x128x128xf32, #tpu.memory_space<vmem>> -> memref<128x128xf32, #tpu.memory_space<vmem>>
        %dma_wait3A_100 = arith.constant 0 : i32
        %dma_wait3A_101 = tpu.memref_slice %arg6[%run_scoped3A_84, %dma_wait3A_100] : memref<2x128xi32, #tpu.memory_space<vmem>> -> memref<1x128xi32, #tpu.memory_space<vmem>>
        %dma_wait3A_102 = tpu.memref_squeeze %dma_wait3A_101 : memref<1x128xi32, #tpu.memory_space<vmem>> -> memref<128xi32, #tpu.memory_space<vmem>>
        %dma_wait3A_103 = arith.constant 0 : i32
        %dma_wait3A_104 = arith.constant 0 : i32
        %dma_wait3A_105 = tpu.memref_slice %arg9[%dma_wait3A_103, %dma_wait3A_104] : memref<10112x128xf32, #tpu.memory_space<vmem_shared>> -> memref<10112x128xf32, #tpu.memory_space<vmem_shared>>
        tpu.wait_indirect_dma semaphore(%run_scoped3A_85 : memref<!tpu.dma_semaphore, #tpu.memory_space<semaphore_mem>>) src(%dma_wait3A_99 : memref<128x128xf32, #tpu.memory_space<vmem>>) dst(%dma_wait3A_105 : memref<10112x128xf32, #tpu.memory_space<vmem_shared>>)
        tpu.yield
      }) : () -> ()
    } else {
    }
    %barrier3A_71 = arith.constant 0 : index
    tpu.barrier barrier_id(%barrier3A_71)
    "tpu.region"() ({
      %run_scoped3A_72 = tpu.sem_alloc : memref<!tpu.dma_semaphore, #tpu.memory_space<semaphore_mem>>
      %dma_start3A_73 = arith.constant 0 : i32
      %dma_start3A_74 = tpu.memref_slice %arg4[%arg0, %multiple_of3A, %dma_start3A_73] : memref<2x10112x128xf32, #tpu.memory_space<hbm>> -> memref<1x632x128xf32, #tpu.memory_space<hbm>>
      %dma_start3A_75 = tpu.memref_squeeze %dma_start3A_74 : memref<1x632x128xf32, #tpu.memory_space<hbm>> -> memref<632x128xf32, #tpu.memory_space<hbm>>
      %dma_start3A_76 = arith.constant 0 : i32
      %dma_start3A_77 = tpu.memref_slice %arg9[%multiple_of3A, %dma_start3A_76] : memref<10112x128xf32, #tpu.memory_space<vmem_shared>> -> memref<632x128xf32, #tpu.memory_space<vmem_shared>>
      tpu.enqueue_dma source(%dma_start3A_77 : memref<632x128xf32, #tpu.memory_space<vmem_shared>>) target(%dma_start3A_75 : memref<632x128xf32, #tpu.memory_space<hbm>>) target_semaphore(%run_scoped3A_72 : memref<!tpu.dma_semaphore, #tpu.memory_space<semaphore_mem>>)
      %dma_wait3A = arith.constant 0 : i32
      %dma_wait3A_78 = tpu.memref_slice %arg4[%arg0, %multiple_of3A, %dma_wait3A] : memref<2x10112x128xf32, #tpu.memory_space<hbm>> -> memref<1x632x128xf32, #tpu.memory_space<hbm>>
      %dma_wait3A_79 = tpu.memref_squeeze %dma_wait3A_78 : memref<1x632x128xf32, #tpu.memory_space<hbm>> -> memref<632x128xf32, #tpu.memory_space<hbm>>
      %dma_wait3A_80 = arith.constant 0 : i32
      %dma_wait3A_81 = tpu.memref_slice %arg9[%multiple_of3A, %dma_wait3A_80] : memref<10112x128xf32, #tpu.memory_space<vmem_shared>> -> memref<632x128xf32, #tpu.memory_space<vmem_shared>>
      tpu.wait_dma2 semaphore(%run_scoped3A_72 : memref<!tpu.dma_semaphore, #tpu.memory_space<semaphore_mem>>) src(%dma_wait3A_81 : memref<632x128xf32, #tpu.memory_space<vmem_shared>>) dst(%dma_wait3A_79 : memref<632x128xf32, #tpu.memory_space<hbm>>)
      tpu.yield
    }) : () -> ()
    return
  }
}

module attributes {stable_mosaic.version = 14 : i64} {
  func.func @_tc_root_body(%arg0: i32, %arg1: memref<1000x128xf32, #tpu.memory_space<vmem>>, %arg2: memref<128x128xf32, #tpu.memory_space<vmem>>, %arg3: memref<1x128xf32, #tpu.memory_space<vmem>>, %arg4: memref<1000x128xf32, #tpu.memory_space<vmem>>) attributes {dimension_semantics = [#tpu.dimension_semantics<arbitrary>], iteration_bounds = array<i64: 10>, scalar_prefetch = 0 : i64, scratch_operands = 0 : i64, tpu.core_type = #tpu.core_type<tc>, window_params = [{transform_indices = @transform_0, window_bounds = array<i64: 1000, 128>}, {pipeline_mode = #tpu.pipeline_mode<synchronous>, transform_indices = @transform_1, window_bounds = array<i64: 128, 128>}, {pipeline_mode = #tpu.pipeline_mode<synchronous>, transform_indices = @transform_2, window_bounds = array<i64: 1, 128>}, {transform_indices = @transform_3, window_bounds = array<i64: 1000, 128>}]} {
    %get3A = arith.constant 0 : index
    %get3A_0 = arith.constant 0 : index
    %get3A_1 = vector.load %arg1[%get3A, %get3A_0] : memref<1000x128xf32, #tpu.memory_space<vmem>>, vector<1000x128xf32>
    %get3A_2 = arith.constant 0 : index
    %get3A_3 = arith.constant 0 : index
    %get3A_4 = vector.load %arg2[%get3A_2, %get3A_3] : memref<128x128xf32, #tpu.memory_space<vmem>>, vector<128x128xf32>
    %dot_general3A = arith.constant dense<0.000000e+00> : vector<1000x128xf32>
    %dot_general3A_5 = tpu.matmul %get3A_1, %get3A_4, %dot_general3A {dimension_numbers = #tpu.dot_dimension_numbers<[1], [0], [0], [1], [0, 0, 1, 1], [], []>, transpose_lhs_hint = false} : vector<1000x128xf32>, vector<128x128xf32>, vector<1000x128xf32> -> vector<1000x128xf32>
    %get3A_6 = arith.constant 0 : index
    %get3A_7 = arith.constant 0 : index
    %get3A_8 = vector.load %arg3[%get3A_6, %get3A_7] : memref<1x128xf32, #tpu.memory_space<vmem>>, vector<1x128xf32>
    %add3A = vector.broadcast %get3A_8 : vector<1x128xf32> to vector<1000x128xf32>
    %add3A_9 = arith.addf %dot_general3A_5, %add3A : vector<1000x128xf32>
    %swap3A = arith.constant 0 : index
    %swap3A_10 = arith.constant 0 : index
    %swap3A_11 = vector.load %arg4[%swap3A, %swap3A_10] : memref<1000x128xf32, #tpu.memory_space<vmem>>, vector<1000x128xf32>
    tpu.vector_store %arg4[%swap3A, %swap3A_10], %add3A_9 {strides = array<i32>} : memref<1000x128xf32, #tpu.memory_space<vmem>>, vector<1000x128xf32>,
    return
  }
  func.func @transform_0(%arg0: i32) -> (i32, i32) {
    %c0_i32 = arith.constant 0 : i32
    %c0_i32_0 = arith.constant 0 : i32
    return %arg0, %c0_i32 : i32, i32
  }
  func.func @transform_1(%arg0: i32) -> (i32, i32) {
    %c0_i32 = arith.constant 0 : i32
    %c0_i32_0 = arith.constant 0 : i32
    %c0_i32_1 = arith.constant 0 : i32
    return %c0_i32, %c0_i32_0 : i32, i32
  }
  func.func @transform_2(%arg0: i32) -> (i32, i32) {
    %c0_i32 = arith.constant 0 : i32
    %c0_i32_0 = arith.constant 0 : i32
    %c0_i32_1 = arith.constant 0 : i32
    return %c0_i32, %c0_i32_0 : i32, i32
  }
  func.func @transform_3(%arg0: i32) -> (i32, i32) {
    %c0_i32 = arith.constant 0 : i32
    %c0_i32_0 = arith.constant 0 : i32
    return %arg0, %c0_i32 : i32, i32
  }
}

module attributes {stable_mosaic.version = 14 : i64} {
  func.func @_tc_rel_body(%arg0: i32, %arg1: memref<1000x128xf32, #tpu.memory_space<vmem>>, %arg2: memref<128x128xf32, #tpu.memory_space<vmem>>, %arg3: memref<2x1000x128xf32, #tpu.memory_space<vmem>>, %arg4: memref<1000x1xf32, #tpu.memory_space<vmem>>, %arg5: memref<1000x128xf32, #tpu.memory_space<vmem>>) attributes {dimension_semantics = [#tpu.dimension_semantics<arbitrary>], iteration_bounds = array<i64: 10>, scalar_prefetch = 0 : i64, scratch_operands = 0 : i64, tpu.core_type = #tpu.core_type<tc>, window_params = [{transform_indices = @transform_0, window_bounds = array<i64: 1000, 128>}, {pipeline_mode = #tpu.pipeline_mode<synchronous>, transform_indices = @transform_1, window_bounds = array<i64: 128, 128>}, {transform_indices = @transform_2, window_bounds = array<i64: 2, 1000, 128>}, {transform_indices = @transform_3, window_bounds = array<i64: 1000, 1>}, {transform_indices = @transform_4, window_bounds = array<i64: 1000, 128>}]} {
    %get3A = arith.constant 0 : index
    %get3A_0 = arith.constant 0 : index
    %get3A_1 = arith.constant 0 : index
    %get3A_2 = vector.load %arg3[%get3A, %get3A_0, %get3A_1] : memref<2x1000x128xf32, #tpu.memory_space<vmem>>, vector<1x1000x128xf32>
    %get3A_3 = vector.shape_cast %get3A_2 : vector<1x1000x128xf32> to vector<1000x128xf32>
    %get3A_4 = arith.constant 1 : index
    %get3A_5 = arith.constant 0 : index
    %get3A_6 = arith.constant 0 : index
    %get3A_7 = vector.load %arg3[%get3A_4, %get3A_5, %get3A_6] : memref<2x1000x128xf32, #tpu.memory_space<vmem>>, vector<1x1000x128xf32>
    %get3A_8 = vector.shape_cast %get3A_7 : vector<1x1000x128xf32> to vector<1000x128xf32>
    %add3A = arith.addf %get3A_3, %get3A_8 : vector<1000x128xf32>
    %get3A_9 = arith.constant 0 : index
    %get3A_10 = arith.constant 0 : index
    %get3A_11 = vector.load %arg4[%get3A_9, %get3A_10] : memref<1000x1xf32, #tpu.memory_space<vmem>>, vector<1000x1xf32>
    %max3A = arith.constant 1.000000e+00 : f32
    %max3A_12 = vector.broadcast %max3A : f32 to vector<1000x1xf32>
    %max3A_13 = arith.maximumf %get3A_11, %max3A_12 : vector<1000x1xf32>
    %div3A = vector.broadcast %max3A_13 : vector<1000x1xf32> to vector<1000x128xf32>
    %div3A_14 = arith.divf %add3A, %div3A : vector<1000x128xf32>
    %get3A_15 = arith.constant 0 : index
    %get3A_16 = arith.constant 0 : index
    %get3A_17 = vector.load %arg1[%get3A_15, %get3A_16] : memref<1000x128xf32, #tpu.memory_space<vmem>>, vector<1000x128xf32>
    %get3A_18 = arith.constant 0 : index
    %get3A_19 = arith.constant 0 : index
    %get3A_20 = vector.load %arg2[%get3A_18, %get3A_19] : memref<128x128xf32, #tpu.memory_space<vmem>>, vector<128x128xf32>
    %dot_general3A = arith.constant dense<0.000000e+00> : vector<1000x128xf32>
    %dot_general3A_21 = tpu.matmul %div3A_14, %get3A_20, %dot_general3A {dimension_numbers = #tpu.dot_dimension_numbers<[1], [0], [0], [1], [0, 0, 1, 1], [], []>, transpose_lhs_hint = false} : vector<1000x128xf32>, vector<128x128xf32>, vector<1000x128xf32> -> vector<1000x128xf32>
    %add3A_22 = arith.addf %get3A_17, %dot_general3A_21 : vector<1000x128xf32>
    %swap3A = arith.constant 0 : index
    %swap3A_23 = arith.constant 0 : index
    %swap3A_24 = vector.load %arg5[%swap3A, %swap3A_23] : memref<1000x128xf32, #tpu.memory_space<vmem>>, vector<1000x128xf32>
    tpu.vector_store %arg5[%swap3A, %swap3A_23], %add3A_22 {strides = array<i32>} : memref<1000x128xf32, #tpu.memory_space<vmem>>, vector<1000x128xf32>,
    return
  }
  func.func @transform_0(%arg0: i32) -> (i32, i32) {
    %c0_i32 = arith.constant 0 : i32
    %c0_i32_0 = arith.constant 0 : i32
    return %arg0, %c0_i32 : i32, i32
  }
  func.func @transform_1(%arg0: i32) -> (i32, i32) {
    %c0_i32 = arith.constant 0 : i32
    %c0_i32_0 = arith.constant 0 : i32
    %c0_i32_1 = arith.constant 0 : i32
    return %c0_i32, %c0_i32_0 : i32, i32
  }
  func.func @transform_2(%arg0: i32) -> (i32, i32, i32) {
    %c0_i32 = arith.constant 0 : i32
    %c0_i32_0 = arith.constant 0 : i32
    %c0_i32_1 = arith.constant 0 : i32
    return %c0_i32, %arg0, %c0_i32_0 : i32, i32, i32
  }
  func.func @transform_3(%arg0: i32) -> (i32, i32) {
    %c0_i32 = arith.constant 0 : i32
    %c0_i32_0 = arith.constant 0 : i32
    return %arg0, %c0_i32 : i32, i32
  }
  func.func @transform_4(%arg0: i32) -> (i32, i32) {
    %c0_i32 = arith.constant 0 : i32
    %c0_i32_0 = arith.constant 0 : i32
    return %arg0, %c0_i32 : i32, i32
  }
}

</mosaic_0001>

<sc_bundles>
// kernel: kernel.6.cloned.1.call-start
scs
__scs_entry_jumppad:
0x0: {  	(pc) =	sbr.rel $0x88, $3  }
0x1: {  	(tag) =	ssettag $0x0;
	lr =	simm.s32 $0x1  }
0x2: {  	[smem:$0x3F9C] =	sst lr;
	_ =	strace $0xD0000000  }
0x3: {  	_ = 	snop  }
0x4: {  	_ = 	snop  }
0x5: {  	_ = 	snop  }
0x6: {  	_ = 	snop  }
0x7: {  	_ = 	snop  }
__scs_overlays_trampoline_lowered:
0x8: {  	[smem:$0x3FAB] =	sst s0  }
0x9: {  	[smem:$0x3FAC] =	sst s1  }
0xa: {  	[smem:$0x3FAD] =	sst s2  }
0xb: {  	[smem:$0x3FAE] =	sst s3  }
0xc: {  	[smem:$0x3FAF] =	sst s4  }
0xd: {  	[smem:$0x3FB0] =	sst s5  }
0xe: {  	[smem:$0x3FB1] =	sst s6  }
0xf: {  	[smem:$0x3FB2] =	sst s7  }
0x10: {  	[smem:$0x3FB3] =	sst s8  }
0x11: {  	[smem:$0x3FB4] =	sst s9;
	s0 =	simm.s32 @!p0 $0x0  }
0x12: {  	s1 =	sld [smem:$0x3F9A];
	s0 =	simm.s32 @p0 $0x1  }
0x13: {  	[smem:$0x3FB5] =	sst s0;
	s0 =	simm.s32 @!p1 $0x0  }
0x14: {  	s2 =	sld [smem:$0x3F99];
	s0 =	simm.s32 @p1 $0x1  }
0x15: {  	[smem:$0x3FB6] =	sst s0;
	s0 =	simm.s32 @!p2 $0x0  }
0x16: {  	s3 =	sld [smem:$0x3FDB];
	s0 =	simm.s32 @p2 $0x1  }
0x17: {  	s4 =	simm.s32 $0x1BF5;
	[smem:$0x3FB8] =	sst s0  }
0x18: {  	s0 =	sld [smem:$0x3F9B];
	_ =	swait.ge [sflag:s4], $0x0  }
0x19: {  	s7 =	sld [smem:$0x3F9C]  }
0x1a: {  	s8 =	sadd.s32 $0xFFFFE003, lr  }
0x1b: {  	s9 =	sadd.s32 $0xFFFFFEF7, lr;
	s5 =	simm.s32 $0xFFFFFFFF;
	p2 =	slt.u32 s8, $0xFFFFF086  }
0x1c: {  	p1 =	slt.u32 s9, $0xF7A;
	s5 =	simm.s32 @!p2 $0x0  }
0x1d: {  	s5 =	simm.s32 @p1 $0x1;
	p0 =	seq.s32 s7, s2  }
0x1e: {  	s7 =	smul.u32 @!p0 $0xF7A, s2;
	p2 =	seq.s32 @!p0 s5, $0x0  }
0x1f: {  	s9 =	smul.u32 $0xF7A, s1;
	s8 =	simm.s32 @!p0 $0x1BF5;
	p2 =	por !p2, p0  }
0x20: {  	[sflag:s8] =	ssyncset.s32 @!p0 $0xFFFFF086;
	s6 =	sadd.s32 @!p0 s3, s7;
	s7 =	simm.s32 @!p0 $0x108  }
0x21: {  	s3 =	sadd.s32 s3, s9;
	s6 =	sadd.s32 @!p0 $0x88, s6;
	s7 =	simm.s32 @p2 $0x1082  }
0x22: {  	[simem:s7], [sflag:s8] =	dma.local @!p0 [hbm:s6], $0xF7A  }
0x23: {  	s9 =	sor.u32 $0xD0000000, s2;
	s6 =	simm.s32 $0x108;
	_ =	swait.ge @!p0 [sflag:s8], $0x0  }
0x24: {  	s3 =	sadd.s32 $0x88, s3;
	s6 =	simm.s32 @!p1 $0x1082;
	[sflag:s4] =	ssyncset.s32 $0xFFFFF086  }
0x25: {  	[simem:s6], [sflag:s4] =	dma.local [hbm:s3], $0xF7A  }
0x26: {  	[smem:$0x3F9C] =	sst s1;
	(tag) =	ssettag s2;
	_ =	strace s9  }
0x27: {  	s1 =	sld [smem:$0x3FAC]  }
0x28: {  	s2 =	sld [smem:$0x3FAD]  }
0x29: {  	s4 =	sld [smem:$0x3FAF]  }
0x2a: {  	p0 =	seq.s32 s5, $0x0;
	s5 =	sld [smem:$0x3FB0]  }
0x2b: {  	s6 =	sld [smem:$0x3FB1]  }
0x2c: {  	s7 =	sld [smem:$0x3FB2]  }
0x2d: {  	s3 =	simm.s32 $0x108;
	s8 =	sld [smem:$0x3FB3]  }
0x2e: {  	s3 =	simm.s32 @!p0 $0x1082;
	s9 =	sld [smem:$0x3FB4]  }
0x2f: {  	lr =	sadd.s32 s0, s3;
	s0 =	sld [smem:$0x3FAB]  }
0x30: {  	s3 =	sld [smem:$0x3FAE]  }
0x31: {  	[smem:$0x3FB7] =	sst s10  }
0x32: {  	s10 =	sld [smem:$0x3FB5];
	_ =	sdelay $0x3  }
0x33: {  	p0 =	seq.s32 s10, $0x1;
	s10 =	sld [smem:$0x3FB7];
	_ =	sdelay $0x3  }
0x34: {  	[smem:$0x3FB7] =	sst s10  }
0x35: {  	s10 =	sld [smem:$0x3FB6];
	_ =	sdelay $0x3  }
0x36: {  	p1 =	seq.s32 s10, $0x1;
	s10 =	sld [smem:$0x3FB7];
	_ =	sdelay $0x3  }
0x37: {  	[smem:$0x3FB7] =	sst s10  }
0x38: {  	s10 =	sld [smem:$0x3FB8]  }
0x39: {  	_ = 	snop;
	(pc) =	sbr.ind lr, $3  }
0x3a: {  	_ = 	snop  }
0x3b: {  	_ = 	snop  }
0x3c: {  	p2 =	seq.s32 s10, $0x1;
	s10 =	sld [smem:$0x3FB7]  }
0x3d: {  	_ =	shalt  }
0x3e: {  	_ =	shalt  }
0x3f: {  	_ =	shalt  }
0x40: {  	_ =	shalt  }
0x41: {  	_ =	shalt  }
0x42: {  	_ =	shalt  }
0x43: {  	_ =	shalt  }
0x44: {  	_ =	shalt  }
0x45: {  	_ =	shalt  }
0x46: {  	_ =	shalt  }
0x47: {  	_ =	shalt  }
0x48: {  	_ =	shalt  }
0x49: {  	_ =	shalt  }
0x4a: {  	_ =	shalt  }
0x4b: {  	_ =	shalt  }
0x4c: {  	_ =	shalt  }
0x4d: {  	_ =	shalt  }
0x4e: {  	_ =	shalt  }
0x4f: {  	_ =	shalt  }
0x50: {  	_ =	shalt  }
0x51: {  	_ =	shalt  }
0x52: {  	_ =	shalt  }
0x53: {  	_ =	shalt  }
0x54: {  	_ =	shalt  }
0x55: {  	_ =	shalt  }
0x56: {  	_ =	shalt  }
0x57: {  	_ =	shalt  }
0x58: {  	_ =	shalt  }
0x59: {  	_ =	shalt  }
0x5a: {  	_ =	shalt  }
0x5b: {  	_ =	shalt  }
0x5c: {  	_ =	shalt  }
0x5d: {  	_ =	shalt  }
0x5e: {  	_ =	shalt  }
0x5f: {  	_ =	shalt  }
0x60: {  	_ =	shalt  }
0x61: {  	_ =	shalt  }
0x62: {  	_ =	shalt  }
0x63: {  	_ =	shalt  }
0x64: {  	_ =	shalt  }
0x65: {  	_ =	shalt  }
0x66: {  	_ =	shalt  }
0x67: {  	_ =	shalt  }
0x68: {  	_ =	shalt  }
0x69: {  	_ =	shalt  }
0x6a: {  	_ =	shalt  }
0x6b: {  	_ =	shalt  }
0x6c: {  	_ =	shalt  }
0x6d: {  	_ =	shalt  }
0x6e: {  	_ =	shalt  }
0x6f: {  	_ =	shalt  }
0x70: {  	_ =	shalt  }
0x71: {  	_ =	shalt  }
0x72: {  	_ =	shalt  }
0x73: {  	_ =	shalt  }
0x74: {  	_ =	shalt  }
0x75: {  	_ =	shalt  }
0x76: {  	_ =	shalt  }
0x77: {  	_ =	shalt  }
0x78: {  	_ =	shalt  }
0x79: {  	_ =	shalt  }
0x7a: {  	_ =	shalt  }
0x7b: {  	_ =	shalt  }
0x7c: {  	_ =	shalt  }
0x7d: {  	_ =	shalt  }
0x7e: {  	_ =	shalt  }
0x7f: {  	_ =	shalt  }
0x80: {  	_ =	shalt  }
0x81: {  	_ =	shalt  }
0x82: {  	_ =	shalt  }
0x83: {  	_ =	shalt  }
0x84: {  	_ =	shalt  }
0x85: {  	_ =	shalt  }
0x86: {  	_ =	shalt  }
0x87: {  	_ =	shalt  }
.Lfunc_end0:
.L_simem_size_0:
called_computation_lowered:
.L_overlay_start_0:
0x88: {  	s2 =	sld [smem:$0x3FD9]  }
0x89: {  	s3 =	sld [smem:$0x3FFE];
	_ =	sdelay $0x1  }
0x8a: {  	s1 =	srdreg.scid  }
0x8b: {  	s0 =	sand.u32 $0x1, s1  }
0x8c: {  	s17 =	sshll.u32 s0, $0xA;
	s2 =	sadd.s32 s3, s2  }
0x8d: {  	s2 =	sadd.s32 s2, s17  }
0x8e: {  	[smem:$0x3FC3] =	sst s2  }
0x8f: {  	_ = 	snop  }
0x90: {  	s2 =	sld [smem:$0x3FC9]  }
0x91: {  	s18 =	sld [smem:$0x3FC8];
	(tm) =	ssettm $0x1  }
0x92: {  	s4 =	sld [smem:$0x3FFB];
	_ =	sdelay $0x3  }
0x93: {  	_ =	strace s4  }
0x94: {  	s4 =	sld [smem:$0x3FFC];
	_ =	sdelay $0x3  }
0x95: {  	_ =	strace s4  }
0x96: {  	s4 =	sld [smem:$0x3FFD];
	_ =	sdelay $0x3  }
0x97: {  	_ =	strace s4  }
0x98: {  	_ =	strace $0x8FFFFFFF  }
0x99: {  	s19 =	sld [smem:$0x3FDB];
	_ =	sdelay $0x1  }
0x9a: {  	s5 =	simm.s32 $_scs_section_size  }
0x9b: {  	s6 =	simm.s32 $_size__tile_overlayer_lowered;
	s7 =	simm.s32 $_tile_overlayer_lowered  }
0x9c: {  	s22 =	simm.s32 $0x1BFF;
	s21 =	sshll.u32 s7, $0x1;
	s4 =	sadd.s32 s5, s19  }
0x9d: {  	s8 =	simm.s32 $0x0;
	s20 =	sshll.u32 s6, $0x1;
	s6 =	sadd.s32 s21, s4  }
0x9e: {  	[timem:s8], [sflag:s22] =	dma.local [hbm:s6], s20  }
0x9f: {  	_ =	swait.ge [sflag:s22], s20  }
0xa0: {  	s5 =	ssub.s32 $0x0, s20;
	[sflag:s22] =	ssyncset.done $0x0  }
0xa1: {  	[sflag:s22] =	ssyncadd.s32 s5;
	_ =	sdelay $0x1  }
0xa2: {  	s23 =	simm.s32 $0x1B8B  }
0xa3: {  	_ =	swait.ge [sflag:s23], $0x1  }
0xa4: {  	[sflag:s23] =	ssyncset.done $0x0  }
0xa5: {  	s25 =	simm.s32 $0x1B8E;
	s24 =	sld [smem:$0x3FFE];
	[sflag:s23] =	ssyncadd.s32 $0xFFFFFFFF  }
0xa6: {  	s26 =	simm.s32 $execute0_lowered;
	[smem:$0x3FD2] =	sst s25  }
0xa7: {  	s6 =	sshll.u32 s26, $0x1;
	_ =	strace $0x80000046;
	[dreg:$0x1] =	wrdreg $0xFFFFFFFF  }
0xa8: {  	s28 =	simm.s32 $_size_execute0_lowered;
	s4 =	sadd.s32 s4, s6;
	[dreg:$0x0] =	wrdreg $0x0  }
0xa9: {  	s6 =	sshll.u32 s28, $0x1;
	[dreg:$0x2] =	wrdreg s4  }
0xaa: {  	[dreg:$0x3] =	wrdreg s6  }
0xab: {  	[dreg:$0x4] =	wrdreg $0xC0  }
0xac: {  	_ =	task [dreg:s8], $0x5FFFF  }
0xad: {  	[dreg:$0x1] =	wrdreg $0xFFFFFFFF  }
0xae: {  	[dreg:$0x0] =	wrdreg $0x60  }
0xaf: {  	[dreg:$0x2] =	wrdreg s2  }
0xb0: {  	[dreg:$0x3] =	wrdreg s18  }
0xb1: {  	[dreg:$0x4] =	wrdreg s24  }
0xb2: {  	[dreg:$0x5] =	wrdreg $0xB6000  }
0xb3: {  	[dreg:$0x6] =	wrdreg $0x9  }
0xb4: {  	_ =	task.clear_ibuf [dreg:s8], $0x7FFFF;
	_ =	strace $0x90000046  }
0xb5: {  	s29 =	simm.s32 $0x9;
	_ =	strace $0x80000048  }
0xb6: {  	_ =	swait.ge [sflag:s29], $0x1  }
0xb7: {  	[sflag:s29] =	ssyncadd.s32 $0xFFFFFFFF  }
0xb8: {  	_ =	strace $0x90000048  }
0xb9: {  	_ =	sfence  }
0xba: {  	s30 =	sld [smem:$0x0];
	_ =	sdelay $0x2  }
0xbb: {  	s31 =	sshll.u32 s1, $0xD;
	s1 =	sshrl.u32 s1, $0x2  }
0xbc: {  	s3 =	sand.u32 $0x4000, s31;
	s1 =	sadd.s32 s1, s30  }
0xbd: {  	s0 =	sor.u32 s3, s0;
	s1 =	sshll.u32 s1, $0x11  }
0xbe: {  	s0 =	sor.u32 s1, s0  }
0xbf: {  	s0 =	sadd.s32 $0x8F2B, s0  }
0xc0: {  	[sflag:s0] =	ssyncadd.remote.s32 $0x1  }
0xc1: {  	_ =	sfence.sel $0xFFFF  }
0xc2: {  	[dreg:$0x0] =	wrdreg $0xFFFFFFFF;
	(pc) =	sbr.abs _section_cstart, $3  }
0xc3: {  	[dreg:$0x1] =	wrdreg $0xFFFFFFFF  }
0xc4: {  	_ =	task.clear_ibuf [dreg:s8], $0x2FFFF;
	_ =	strace $0x9FFFFFFF  }
0xc5: {  	(tm) =	ssettm $0x7FFFFFFF  }
tec
execute0_lowered:
.L_overlay_start_1:
0x0: {  	(tag) =	ssettag $0x1  }
0x1: {  	s0 =	rddreg [dreg:$0x0]  }
0x2: {  	s2 =	rddreg [dreg:$0x1];
	s1 =	srdreg.scid  }
0x3: {  	s3 =	rddreg [dreg:$0x2];
	s10 =	stileid.u32  }
0x4: {  	s4 =	rddreg [dreg:$0x3];
	s5 =	simm.s32 $0x0;
	s28 =	simm.s32 $0x80  }
0x5: {  	s29 =	simm.s32 $0x200;
	s30 =	simm.s32 $0x180;
	s31 =	simm.s32 $0x4200  }
0x6: {  	s1 =	sand.u32 $0x1, s1;
	s7 =	smul.u32 $0x13C00, s10;
	[smem:$0x7FF] =	sst s5  }
0x7: {  	s13 =	smul.u32 $0x4F000, s10;
	s22 =	sshll.u32 s10, $0x8;
	s23 =	sshll.u32 s10, $0x5  }
0x8: {  	s6 =	smul.u32 $0x13C000, s1;
	_ =	strace $0x80000047;
	s8 =	ssub.s32 $0x2, s1  }
0x9: {  	s9 =	sshll.u32 s1, $0x4;
	s1 =	sshll.u32 s1, $0xC;
	s24 =	sor.u32 $0x13800, s23  }
0xa: {  	s15 =	sor.u32 s10, s9;
	s6 =	sadd.s32 s7, s6;
	s7 =	sshrl.u32 s13, $0x2  }
0xb: {  	s20 =	sshll.u32 s15, $0x5;
	s13 =	sadd.s32 $0x10, s2;
	s6 =	sshrl.u32 s6, $0x3  }
0xc: {  	s9 =	sadd.s32 s20, s13;
	s3 =	sadd.s32 s6, s3;
	s6 =	sadd.s32 s7, s4  }
0xd: {  	s14 =	sshrl.u32 s8, $0x1;
	[dreg:$0xb] =	wrdreg s9;
	s16 =	sadd.s32 $0x3400, s6  }
0xe: {  	s8 =	ssub.s32 s8, s14;
	s17 =	sadd.s32 $0x6800, s6;
	[dreg:$0x5] =	wrdreg s16  }
0xf: {  	p0 =	sgt.u32 s15, $0x3;
	s18 =	sadd.s32 $0x9C00, s6;
	[dreg:$0x6] =	wrdreg s17  }
0x10: {  	s12 =	sadd.s32 s2, s20;
	s19 =	sadd.s32 $0xD000, s6;
	[dreg:$0x7] =	wrdreg s18  }
0x11: {  	s20 =	smax.u32 s8, $0x1;
	s11 =	sadd.s32 $0x10400, s6;
	[dreg:$0x8] =	wrdreg s19  }
0x12: {  	s7 =	simm.s32 $0x0;
	s21 =	sadd.s32 $0x13800, s6;
	[dreg:$0x9] =	wrdreg s11  }
0x13: {  	[dreg:$0xa] =	wrdreg s21;
	s16 =	sadd.s32 $0x400, s12;
	s17 =	sadd.s32 $0x410, s12  }
0x14: {  	s18 =	sadd.s32 $0x1000, s3;
	s19 =	sor.u32 s22, s1;
	s21 =	sadd.s32 s2, s24  }
0x15: {  	s22 =	sadd.s32 s24, s13;
	s24 =	simm.s32 $0x8200;
	s25 =	sor.u32 $0x6000, s19  }
0x16: {  	s3 =	simm.s32 $0x1;
	s1 =	simm.s32 $0x2;
	s26 =	sshrl.u32 s25, $0x3  }
0x17: {  	v0 =	vimm.f32 $0.0e+00;
	s25 =	simm.s32 $0x3;
	s23 =	sadd.s32 s26, s13;
	s26 =	simm.s32 $0x100  }
.LBB2_1:
0x18: {  	s8 =	sand.u32 $0xFE00, s5  }
0x19: {  	s9 =	sand.u32 $0x70, s5;
	s10 =	sshrl.u32 s8, $0x2  }
0x1a: {  	s8 =	simm.s32 $0x40;
	s10 =	sor.u32 s9, s10;
	s9 =	simm.s32 $0x0  }
.LBB2_2:
0x1b: {  	p1 =	sne.s32 s8, $0xCFC0  }
0x1c: {  	[tilespmem:s10+$0x8200] =	vst v0;
	s9 =	sadd.s32 $0x10, s9;
	s10 =	smov.u32 s8;
	s8 =	sadd.s32 $0x40, s8  }
.Ltmp0:
0x1d: {  	(pc) =	sbr.rel @p1 .LBB2_2-.Ltmp0, $4  }
0x1e: {  	_ = 	snop  }
0x1f: {  	s10 =	sand.u32 $0xFE00, s10  }
0x20: {  	s11 =	sand.u32 $0x70, s9;
	s10 =	sshrl.u32 s10, $0x2  }
0x21: {  	s10 =	sor.u32 s11, s10  }
0x22: {  	[tilespmem:s10+$0x8200] =	vst v0  }
0x23: {  	[spmem:s6] =	stream.linear.scatter [tilespmem:s24], [sflag:$0x3], $0x3400, $0x38;
	[tilespmem:$0x1F200] =	vst v63  }
0x24: {  	_ =	swait.ge [sflag:s25], $0x3400  }
0x25: {  	[sflag:s25] =	ssyncset.done $0x0  }
0x26: {  	s8 =	rddreg [dreg:$0x5];
	[sflag:s25] =	ssyncadd.s32 $0xFFFFCC00  }
0x27: {  	[spmem:s8] =	stream.linear.scatter [tilespmem:s24], [sflag:$0x3], $0x3400, $0x38;
	[tilespmem:$0x1F200] =	vst v63  }
0x28: {  	_ =	swait.ge [sflag:s25], $0x3400  }
0x29: {  	[sflag:s25] =	ssyncset.done $0x0  }
0x2a: {  	s11 =	rddreg [dreg:$0x6];
	[sflag:s25] =	ssyncadd.s32 $0xFFFFCC00  }
0x2b: {  	[spmem:s11] =	stream.linear.scatter [tilespmem:s24], [sflag:$0x3], $0x3400, $0x38;
	[tilespmem:$0x1F200] =	vst v63  }
0x2c: {  	_ =	swait.ge [sflag:s25], $0x3400  }
0x2d: {  	[sflag:s25] =	ssyncset.done $0x0  }
0x2e: {  	s14 =	rddreg [dreg:$0x7];
	[sflag:s25] =	ssyncadd.s32 $0xFFFFCC00  }
0x2f: {  	[spmem:s14] =	stream.linear.scatter [tilespmem:s24], [sflag:$0x3], $0x3400, $0x38;
	[tilespmem:$0x1F200] =	vst v63  }
0x30: {  	_ =	swait.ge [sflag:s25], $0x3400  }
0x31: {  	[sflag:s25] =	ssyncset.done $0x0  }
0x32: {  	s15 =	rddreg [dreg:$0x8];
	[sflag:s25] =	ssyncadd.s32 $0xFFFFCC00  }
0x33: {  	[spmem:s15] =	stream.linear.scatter [tilespmem:s24], [sflag:$0x3], $0x3400, $0x38;
	[tilespmem:$0x1F200] =	vst v63  }
0x34: {  	_ =	swait.ge [sflag:s25], $0x3400  }
0x35: {  	[sflag:s25] =	ssyncset.done $0x0  }
0x36: {  	s9 =	rddreg [dreg:$0x9];
	[sflag:s25] =	ssyncadd.s32 $0xFFFFCC00  }
0x37: {  	[spmem:s9] =	stream.linear.scatter [tilespmem:s24], [sflag:$0x3], $0x3400, $0x38;
	[tilespmem:$0x1F200] =	vst v63  }
0x38: {  	_ =	swait.ge [sflag:s25], $0x3400  }
0x39: {  	[sflag:s25] =	ssyncset.done $0x0  }
0x3a: {  	s10 =	rddreg [dreg:$0xa];
	[sflag:s25] =	ssyncadd.s32 $0xFFFFCC00  }
0x3b: {  	[spmem:s10] =	stream.linear.scatter [tilespmem:s24], [sflag:$0x3], $0x400, $0x38;
	[tilespmem:$0x1F200] =	vst v63  }
0x3c: {  	_ =	swait.ge [sflag:s25], $0x400  }
0x3d: {  	[sflag:s25] =	ssyncset.done $0x0  }
0x3e: {  	[sflag:s25] =	ssyncadd.s32 $0xFFFFFC00  }
0x3f: {  	[bflag:$0x0] =	sbarrier.arrive $0xFFFF  }
0x40: {  	[tilespmem:s5], [sflag:$0x3] =	stream.linear.gather [hbm4b:s12+s5], $0x80, $0x38;
	[tilespmem:$0x1F200] =	vst v63  }
0x41: {  	_ =	swait.ge [sflag:s25], $0x80  }
0x42: {  	[sflag:s25] =	ssyncset.done $0x0  }
0x43: {  	s11 =	rddreg [dreg:$0xb];
	[sflag:s25] =	ssyncadd.s32 $0xFFFFFF80  }
0x44: {  	[tilespmem:s26], [sflag:$0x3] =	stream.linear.gather [hbm4b:s11+s5], $0x80, $0x38;
	[tilespmem:$0x1F200] =	vst v63  }
0x45: {  	_ =	swait.ge [sflag:s25], $0x80  }
0x46: {  	[sflag:s25] =	ssyncset.done $0x0  }
0x47: {  	[sflag:s25] =	ssyncadd.s32 $0xFFFFFF80  }
0x48: {  	[tilespmem:s29], [sflag:$0x1] =	stream.indirect.gather [hbm4b:s0+s28], $0x80, s5, s28, $0xb8;
	[tilespmem:$0x1F200] =	vst v63  }
0x49: {  	_ = 	snop  }
0x4a: {  	[tilespmem:s28], [sflag:$0x3] =	stream.linear.gather [hbm4b:s16+s5], $0x80, $0x38;
	[tilespmem:$0x1F200] =	vst v63  }
0x4b: {  	_ =	swait.ge [sflag:s25], $0x80  }
0x4c: {  	[sflag:s25] =	ssyncset.done $0x0  }
0x4d: {  	[sflag:s25] =	ssyncadd.s32 $0xFFFFFF80  }
0x4e: {  	[tilespmem:s30], [sflag:$0x3] =	stream.linear.gather [hbm4b:s17+s5], $0x80, $0x38;
	[tilespmem:$0x1F200] =	vst v63  }
0x4f: {  	_ =	swait.ge [sflag:s25], $0x80  }
0x50: {  	[sflag:s25] =	ssyncset.done $0x0  }
0x51: {  	[sflag:s25] =	ssyncadd.s32 $0xFFFFFF80  }
0x52: {  	[tilespmem:s31], [sflag:$0x2] =	stream.indirect.gather [hbm4b:s0+s28], $0x80, s28, s28, $0xb8;
	[tilespmem:$0x1F200] =	vst v63  }
0x53: {  	_ =	swait.ge [sflag:s3], $0x4000  }
0x54: {  	[sflag:s3] =	ssyncset.done $0x0  }
0x55: {  	[sflag:s3] =	ssyncadd.s32 $0xFFFFC000  }
0x56: {  	[spmem:s4] =	stream.indirect.scatter.add.f32 [tilespmem:s29], [sflag:$0x3], $0x80, s26, s28, $0xb8;
	[tilespmem:$0x1F200] =	vst v63  }
0x57: {  	s14 =	sadd.s32 $0x4000, s19;
	_ =	swait.ge [sflag:s25], $0x4000  }
0x58: {  	s8 =	sshrl.u32 s14, $0x3;
	[sflag:s25] =	ssyncset.done $0x0  }
0x59: {  	s9 =	sadd.s32 s2, s8;
	[sflag:s25] =	ssyncadd.s32 $0xFFFFC000  }
0x5a: {  	[tilespmem:s5], [sflag:$0x3] =	stream.linear.gather [hbm4b:s9+s5], $0x80, $0x38;
	[tilespmem:$0x1F200] =	vst v63  }
0x5b: {  	_ =	swait.ge [sflag:s25], $0x80  }
0x5c: {  	[sflag:s25] =	ssyncset.done $0x0  }
0x5d: {  	s8 =	sadd.s32 s8, s13;
	[sflag:s25] =	ssyncadd.s32 $0xFFFFFF80  }
0x5e: {  	[tilespmem:s26], [sflag:$0x3] =	stream.linear.gather [hbm4b:s8+s5], $0x80, $0x38;
	[tilespmem:$0x1F200] =	vst v63  }
0x5f: {  	_ =	swait.ge [sflag:s25], $0x80  }
0x60: {  	[sflag:s25] =	ssyncset.done $0x0  }
0x61: {  	[sflag:s25] =	ssyncadd.s32 $0xFFFFFF80  }
0x62: {  	[tilespmem:s29], [sflag:$0x1] =	stream.indirect.gather [hbm4b:s0+s28], $0x80, s5, s28, $0xb8;
	[tilespmem:$0x1F200] =	vst v63  }
0x63: {  	_ =	swait.ge [sflag:s1], $0x4000  }
0x64: {  	[sflag:s1] =	ssyncset.done $0x0  }
0x65: {  	[sflag:s1] =	ssyncadd.s32 $0xFFFFC000  }
0x66: {  	[spmem:s4] =	stream.indirect.scatter.add.f32 [tilespmem:s31], [sflag:$0x3], $0x80, s30, s28, $0xb8;
	[tilespmem:$0x1F200] =	vst v63  }
0x67: {  	_ =	swait.ge [sflag:s25], $0x4000  }
0x68: {  	[sflag:s25] =	ssyncset.done $0x0  }
0x69: {  	s15 =	sadd.s32 $0xFFFFFFF0, s23;
	[sflag:s25] =	ssyncadd.s32 $0xFFFFC000  }
0x6a: {  	[tilespmem:s28], [sflag:$0x3] =	stream.linear.gather [hbm4b:s15+s5], $0x80, $0x38;
	[tilespmem:$0x1F200] =	vst v63  }
0x6b: {  	_ =	swait.ge [sflag:s25], $0x80  }
0x6c: {  	[sflag:s25] =	ssyncset.done $0x0  }
0x6d: {  	[sflag:s25] =	ssyncadd.s32 $0xFFFFFF80  }
0x6e: {  	[tilespmem:s30], [sflag:$0x3] =	stream.linear.gather [hbm4b:s23+s5], $0x80, $0x38;
	[tilespmem:$0x1F200] =	vst v63  }
0x6f: {  	_ =	swait.ge [sflag:s25], $0x80  }
0x70: {  	[sflag:s25] =	ssyncset.done $0x0  }
0x71: {  	s9 =	sadd.s32 $0x800, s23;
	s8 =	simm.s32 $0x8000;
	[sflag:s25] =	ssyncadd.s32 $0xFFFFFF80  }
.LBB2_4:
0x72: {  	[tilespmem:s31], [sflag:$0x2] =	stream.indirect.gather [hbm4b:s0+s28], $0x80, s28, s28, $0xb8;
	[tilespmem:$0x1F200] =	vst v63  }
0x73: {  	s10 =	smov.u32 s8  }
0x74: {  	p1 =	sne.s32 s8, $0x98000;
	s8 =	sadd.s32 $0x4000, s8;
	_ =	swait.ge [sflag:s3], $0x4000  }
0x75: {  	[sflag:s3] =	ssyncset.done $0x0  }
0x76: {  	[sflag:s3] =	ssyncadd.s32 $0xFFFFC000  }
0x77: {  	[spmem:s4] =	stream.indirect.scatter.add.f32 [tilespmem:s29], [sflag:$0x3], $0x80, s26, s28, $0xb8;
	[tilespmem:$0x1F200] =	vst v63  }
0x78: {  	s10 =	sadd.s32 s10, s19;
	_ =	swait.ge [sflag:s25], $0x4000  }
0x79: {  	s10 =	sshrl.u32 s10, $0x3;
	[sflag:s25] =	ssyncset.done $0x0  }
0x7a: {  	s11 =	sadd.s32 s2, s10;
	[sflag:s25] =	ssyncadd.s32 $0xFFFFC000  }
0x7b: {  	[tilespmem:s5], [sflag:$0x3] =	stream.linear.gather [hbm4b:s11+s5], $0x80, $0x38;
	[tilespmem:$0x1F200] =	vst v63  }
0x7c: {  	_ =	swait.ge [sflag:s25], $0x80  }
0x7d: {  	[sflag:s25] =	ssyncset.done $0x0  }
0x7e: {  	s10 =	sadd.s32 s10, s13;
	[sflag:s25] =	ssyncadd.s32 $0xFFFFFF80  }
0x7f: {  	[tilespmem:s26], [sflag:$0x3] =	stream.linear.gather [hbm4b:s10+s5], $0x80, $0x38;
	[tilespmem:$0x1F200] =	vst v63  }
0x80: {  	_ =	swait.ge [sflag:s25], $0x80  }
0x81: {  	[sflag:s25] =	ssyncset.done $0x0  }
0x82: {  	[sflag:s25] =	ssyncadd.s32 $0xFFFFFF80  }
0x83: {  	[tilespmem:s29], [sflag:$0x1] =	stream.indirect.gather [hbm4b:s0+s28], $0x80, s5, s28, $0xb8;
	[tilespmem:$0x1F200] =	vst v63  }
0x84: {  	_ =	swait.ge [sflag:s1], $0x4000  }
0x85: {  	[sflag:s1] =	ssyncset.done $0x0  }
0x86: {  	[sflag:s1] =	ssyncadd.s32 $0xFFFFC000  }
0x87: {  	[spmem:s4] =	stream.indirect.scatter.add.f32 [tilespmem:s31], [sflag:$0x3], $0x80, s30, s28, $0xb8;
	[tilespmem:$0x1F200] =	vst v63  }
0x88: {  	_ =	swait.ge [sflag:s25], $0x4000  }
0x89: {  	[sflag:s25] =	ssyncset.done $0x0  }
0x8a: {  	s10 =	sadd.s32 $0xFFFFFFF0, s9;
	[sflag:s25] =	ssyncadd.s32 $0xFFFFC000  }
0x8b: {  	[tilespmem:s28], [sflag:$0x3] =	stream.linear.gather [hbm4b:s10+s5], $0x80, $0x38;
	[tilespmem:$0x1F200] =	vst v63  }
0x8c: {  	_ =	swait.ge [sflag:s25], $0x80  }
0x8d: {  	[sflag:s25] =	ssyncset.done $0x0  }
.Ltmp1:
0x8e: {  	[sflag:s25] =	ssyncadd.s32 $0xFFFFFF80;
	(pc) =	sbr.rel @p1 .LBB2_4-.Ltmp1, $4  }
0x8f: {  	[tilespmem:s30], [sflag:$0x3] =	stream.linear.gather [hbm4b:s9+s5], $0x80, $0x38;
	[tilespmem:$0x1F200] =	vst v63  }
0x90: {  	_ =	swait.ge [sflag:s25], $0x80  }
0x91: {  	[sflag:s25] =	ssyncset.done $0x0  }
0x92: {  	s9 =	sadd.s32 $0x800, s9;
	[sflag:s25] =	ssyncadd.s32 $0xFFFFFF80  }
0x93: {  	[tilespmem:s31], [sflag:$0x2] =	stream.indirect.gather [hbm4b:s0+s28], $0x80, s28, s28, $0xb8;
	[tilespmem:$0x1F200] =	vst v63  }
0x94: {  	_ =	swait.ge [sflag:s3], $0x4000  }
0x95: {  	[sflag:s3] =	ssyncset.done $0x0  }
0x96: {  	[sflag:s3] =	ssyncadd.s32 $0xFFFFC000  }
0x97: {  	[spmem:s4] =	stream.indirect.scatter.add.f32 [tilespmem:s29], [sflag:$0x3], $0x80, s26, s28, $0xb8;
	[tilespmem:$0x1F200] =	vst v63  }
0x98: {  	_ =	swait.ge [sflag:s25], $0x4000  }
0x99: {  	[sflag:s25] =	ssyncset.done $0x0  }
0x9a: {  	s8 =	simm.s32 @p0 $0x2;
	[sflag:s25] =	ssyncadd.s32 $0xFFFFC000  }
0x9b: {  	_ =	swait.ge @p0 [sflag:s8], $0x4000  }
0x9c: {  	s9 =	simm.s32 @p0 $0x180;
	[sflag:s8] =	ssyncset.done @p0 $0x0  }
0x9d: {  	s10 =	simm.s32 @p0 $0x4200;
	[sflag:s8] =	ssyncadd.s32 @p0 $0xFFFFC000;
	s8 =	simm.s32 @p0 $0x80  }
0x9e: {  	[spmem:s4] =	stream.indirect.scatter.add.f32 @p0 [tilespmem:s10], [sflag:$0x3], $0x80, s9, s8, $0xb8;
	[tilespmem:$0x1F200] =	vst v63  }
0x9f: {  	s8 =	simm.s32 @!p0 $0x0;
	s9 =	simm.s32 @!p0 $0x3  }
0xa0: {  	[tilespmem:s8], [sflag:$0x3] =	stream.linear.gather @!p0 [hbm4b:s21+s8], $0x80, $0x38;
	[tilespmem:$0x1F200] =	vst v63  }
0xa1: {  	_ =	swait.ge @!p0 [sflag:s9], $0x80  }
0xa2: {  	[sflag:s9] =	ssyncset.done @!p0 $0x0  }
0xa3: {  	s10 =	simm.s32 @!p0 $0x100;
	[sflag:s9] =	ssyncadd.s32 @!p0 $0xFFFFFF80  }
0xa4: {  	[tilespmem:s10], [sflag:$0x3] =	stream.linear.gather @!p0 [hbm4b:s22+s8], $0x80, $0x38;
	[tilespmem:$0x1F200] =	vst v63  }
0xa5: {  	_ =	swait.ge @!p0 [sflag:s9], $0x80  }
0xa6: {  	[sflag:s9] =	ssyncset.done @!p0 $0x0  }
0xa7: {  	s11 =	simm.s32 @!p0 $0x80;
	s14 =	simm.s32 @!p0 $0x200;
	[sflag:s9] =	ssyncadd.s32 @!p0 $0xFFFFFF80  }
0xa8: {  	[tilespmem:s14], [sflag:$0x1] =	stream.indirect.gather @!p0 [hbm4b:s0+s11], $0x80, s8, s11, $0xb8;
	[tilespmem:$0x1F200] =	vst v63  }
0xa9: {  	s8 =	simm.s32 @!p0 $0x2  }
0xaa: {  	_ =	swait.ge @!p0 [sflag:s8], $0x4000  }
0xab: {  	[sflag:s8] =	ssyncset.done @!p0 $0x0  }
0xac: {  	s15 =	simm.s32 @!p0 $0x4200;
	[sflag:s8] =	ssyncadd.s32 @!p0 $0xFFFFC000;
	s8 =	simm.s32 @!p0 $0x180  }
0xad: {  	[spmem:s4] =	stream.indirect.scatter.add.f32 @!p0 [tilespmem:s15], [sflag:$0x3], $0x80, s8, s11, $0xb8;
	[tilespmem:$0x1F200] =	vst v63  }
0xae: {  	_ =	swait.ge @!p0 [sflag:s9], $0x4000  }
0xaf: {  	[sflag:s9] =	ssyncset.done @!p0 $0x0  }
0xb0: {  	s8 =	simm.s32 @!p0 $0x1;
	[sflag:s9] =	ssyncadd.s32 @!p0 $0xFFFFC000  }
0xb1: {  	_ =	swait.ge @!p0 [sflag:s8], $0x4000  }
0xb2: {  	[sflag:s8] =	ssyncset.done @!p0 $0x0  }
0xb3: {  	[sflag:s8] =	ssyncadd.s32 @!p0 $0xFFFFC000  }
0xb4: {  	[spmem:s4] =	stream.indirect.scatter.add.f32 @!p0 [tilespmem:s14], [sflag:$0x3], $0x80, s10, s11, $0xb8;
	[tilespmem:$0x1F200] =	vst v63  }
0xb5: {  	s7 =	sadd.s32 $0x1, s7;
	_ =	swait.ge [sflag:s25], $0x4000  }
0xb6: {  	p1 =	sne.s32 s7, s20;
	s14 =	stileid.u32;
	[sflag:s25] =	ssyncset.done $0x0  }
0xb7: {  	s15 =	sshrl.u32 s6, $0x3;
	s8 =	sshll.u32 s14, $0x6;
	[sflag:s25] =	ssyncadd.s32 $0xFFFFC000  }
.Ltmp2:
0xb8: {  	s8 =	sor.u32 $0x1C03, s8;
	[bflag:$0x0] =	sbarrier.arrive $0xFFFF;
	(pc) =	sbr.rel @p1 .LBB2_1-.Ltmp2, $4  }
0xb9: {  	[hbm:s18], [sflag:s8] =	dma.local [spmem:s15], $0x2780  }
0xba: {  	_ =	swait.ge [sflag:s25], $0x2780  }
0xbb: {  	[sflag:s25] =	ssyncset.done $0x0  }
0xbc: {  	[sflag:s25] =	ssyncadd.s32 $0xFFFFD880  }
0xbd: {  	_ =	sfence.sel $0x180000  }
0xbe: {  	[bflag:$0x0] =	sbarrier.arrive $0xFFFF  }
0xbf: {  	_ =	strace $0x90000047  }
0xc0: {  	s0 =	stileid.u32;
	[bflag:$0x2] =	sbarrier.arrive $0xFFFF  }
0xc1: {  	p0 =	sne.s32 s0, $0x0;
	s0 =	rddreg [dreg:$0x4]  }
0xc2: {  	s0 =	sadd.s32 @!p0 $0x100000, s0  }
0xc3: {  	[sflag:s0] =	ssyncadd.tile.s32 @!p0 $0x1;
	_ =	shalt  }
.Lfunc_end2:
_tile_overlayer_lowered:
.L_overlay_start_2:
0xc4: {  	(tag) =	ssettag $0x2  }
0xc5: {  	s0 =	rddreg [dreg:$0x0];
	s2 =	stileid.u32  }
0xc6: {  	s1 =	rddreg [dreg:$0x1];
	p0 =	sne.s32 s2, $0x0  }
0xc7: {  	s3 =	rddreg [dreg:$0x2];
	[bflag:$0x3] =	sbarrier.arrive $0xFFFF;
	s2 =	simm.s32 @!p0 $0x1C03  }
0xc8: {  	[timem:s3], [sflag:s2] =	dma.local @!p0 [hbm:s0], s1  }
0xc9: {  	s0 =	simm.s32 @!p0 $0x3  }
0xca: {  	_ =	swait.ge @!p0 [sflag:s0], s1  }
0xcb: {  	s1 =	ssub.s32 @!p0 $0x0, s1;
	[sflag:s0] =	ssyncset.done @!p0 $0x0  }
0xcc: {  	[sflag:s0] =	ssyncadd.s32 @!p0 s1  }
0xcd: {  	[bflag:$0x3] =	sbarrier.arrive $0xFFFF  }
0xce: {  	_ =	shalt  }

// kernel: kernel.9.cloned.1.call-start
scs
__scs_entry_jumppad:
0x0: {  	(pc) =	sbr.rel $0x88, $3  }
0x1: {  	(tag) =	ssettag $0x0;
	lr =	simm.s32 $0x1  }
0x2: {  	[smem:$0x3F9C] =	sst lr;
	_ =	strace $0xD0000000  }
0x3: {  	_ = 	snop  }
0x4: {  	_ = 	snop  }
0x5: {  	_ = 	snop  }
0x6: {  	_ = 	snop  }
0x7: {  	_ = 	snop  }
__scs_overlays_trampoline_lowered:
0x8: {  	[smem:$0x3FAB] =	sst s0  }
0x9: {  	[smem:$0x3FAC] =	sst s1  }
0xa: {  	[smem:$0x3FAD] =	sst s2  }
0xb: {  	[smem:$0x3FAE] =	sst s3  }
0xc: {  	[smem:$0x3FAF] =	sst s4  }
0xd: {  	[smem:$0x3FB0] =	sst s5  }
0xe: {  	[smem:$0x3FB1] =	sst s6  }
0xf: {  	[smem:$0x3FB2] =	sst s7  }
0x10: {  	[smem:$0x3FB3] =	sst s8  }
0x11: {  	[smem:$0x3FB4] =	sst s9;
	s0 =	simm.s32 @!p0 $0x0  }
0x12: {  	s1 =	sld [smem:$0x3F9A];
	s0 =	simm.s32 @p0 $0x1  }
0x13: {  	[smem:$0x3FB5] =	sst s0;
	s0 =	simm.s32 @!p1 $0x0  }
0x14: {  	s2 =	sld [smem:$0x3F99];
	s0 =	simm.s32 @p1 $0x1  }
0x15: {  	[smem:$0x3FB6] =	sst s0;
	s0 =	simm.s32 @!p2 $0x0  }
0x16: {  	s3 =	sld [smem:$0x3FDB];
	s0 =	simm.s32 @p2 $0x1  }
0x17: {  	s4 =	simm.s32 $0x1BF5;
	[smem:$0x3FB8] =	sst s0  }
0x18: {  	s0 =	sld [smem:$0x3F9B];
	_ =	swait.ge [sflag:s4], $0x0  }
0x19: {  	s7 =	sld [smem:$0x3F9C]  }
0x1a: {  	s8 =	sadd.s32 $0xFFFFE003, lr  }
0x1b: {  	s9 =	sadd.s32 $0xFFFFFEF7, lr;
	s5 =	simm.s32 $0xFFFFFFFF;
	p2 =	slt.u32 s8, $0xFFFFF086  }
0x1c: {  	p1 =	slt.u32 s9, $0xF7A;
	s5 =	simm.s32 @!p2 $0x0  }
0x1d: {  	s5 =	simm.s32 @p1 $0x1;
	p0 =	seq.s32 s7, s2  }
0x1e: {  	s7 =	smul.u32 @!p0 $0xF7A, s2;
	p2 =	seq.s32 @!p0 s5, $0x0  }
0x1f: {  	s9 =	smul.u32 $0xF7A, s1;
	s8 =	simm.s32 @!p0 $0x1BF5;
	p2 =	por !p2, p0  }
0x20: {  	[sflag:s8] =	ssyncset.s32 @!p0 $0xFFFFF086;
	s6 =	sadd.s32 @!p0 s3, s7;
	s7 =	simm.s32 @!p0 $0x108  }
0x21: {  	s3 =	sadd.s32 s3, s9;
	s6 =	sadd.s32 @!p0 $0x88, s6;
	s7 =	simm.s32 @p2 $0x1082  }
0x22: {  	[simem:s7], [sflag:s8] =	dma.local @!p0 [hbm:s6], $0xF7A  }
0x23: {  	s9 =	sor.u32 $0xD0000000, s2;
	s6 =	simm.s32 $0x108;
	_ =	swait.ge @!p0 [sflag:s8], $0x0  }
0x24: {  	s3 =	sadd.s32 $0x88, s3;
	s6 =	simm.s32 @!p1 $0x1082;
	[sflag:s4] =	ssyncset.s32 $0xFFFFF086  }
0x25: {  	[simem:s6], [sflag:s4] =	dma.local [hbm:s3], $0xF7A  }
0x26: {  	[smem:$0x3F9C] =	sst s1;
	(tag) =	ssettag s2;
	_ =	strace s9  }
0x27: {  	s1 =	sld [smem:$0x3FAC]  }
0x28: {  	s2 =	sld [smem:$0x3FAD]  }
0x29: {  	s4 =	sld [smem:$0x3FAF]  }
0x2a: {  	p0 =	seq.s32 s5, $0x0;
	s5 =	sld [smem:$0x3FB0]  }
0x2b: {  	s6 =	sld [smem:$0x3FB1]  }
0x2c: {  	s7 =	sld [smem:$0x3FB2]  }
0x2d: {  	s3 =	simm.s32 $0x108;
	s8 =	sld [smem:$0x3FB3]  }
0x2e: {  	s3 =	simm.s32 @!p0 $0x1082;
	s9 =	sld [smem:$0x3FB4]  }
0x2f: {  	lr =	sadd.s32 s0, s3;
	s0 =	sld [smem:$0x3FAB]  }
0x30: {  	s3 =	sld [smem:$0x3FAE]  }
0x31: {  	[smem:$0x3FB7] =	sst s10  }
0x32: {  	s10 =	sld [smem:$0x3FB5];
	_ =	sdelay $0x3  }
0x33: {  	p0 =	seq.s32 s10, $0x1;
	s10 =	sld [smem:$0x3FB7];
	_ =	sdelay $0x3  }
0x34: {  	[smem:$0x3FB7] =	sst s10  }
0x35: {  	s10 =	sld [smem:$0x3FB6];
	_ =	sdelay $0x3  }
0x36: {  	p1 =	seq.s32 s10, $0x1;
	s10 =	sld [smem:$0x3FB7];
	_ =	sdelay $0x3  }
0x37: {  	[smem:$0x3FB7] =	sst s10  }
0x38: {  	s10 =	sld [smem:$0x3FB8]  }
0x39: {  	_ = 	snop;
	(pc) =	sbr.ind lr, $3  }
0x3a: {  	_ = 	snop  }
0x3b: {  	_ = 	snop  }
0x3c: {  	p2 =	seq.s32 s10, $0x1;
	s10 =	sld [smem:$0x3FB7]  }
0x3d: {  	_ =	shalt  }
0x3e: {  	_ =	shalt  }
0x3f: {  	_ =	shalt  }
0x40: {  	_ =	shalt  }
0x41: {  	_ =	shalt  }
0x42: {  	_ =	shalt  }
0x43: {  	_ =	shalt  }
0x44: {  	_ =	shalt  }
0x45: {  	_ =	shalt  }
0x46: {  	_ =	shalt  }
0x47: {  	_ =	shalt  }
0x48: {  	_ =	shalt  }
0x49: {  	_ =	shalt  }
0x4a: {  	_ =	shalt  }
0x4b: {  	_ =	shalt  }
0x4c: {  	_ =	shalt  }
0x4d: {  	_ =	shalt  }
0x4e: {  	_ =	shalt  }
0x4f: {  	_ =	shalt  }
0x50: {  	_ =	shalt  }
0x51: {  	_ =	shalt  }
0x52: {  	_ =	shalt  }
0x53: {  	_ =	shalt  }
0x54: {  	_ =	shalt  }
0x55: {  	_ =	shalt  }
0x56: {  	_ =	shalt  }
0x57: {  	_ =	shalt  }
0x58: {  	_ =	shalt  }
0x59: {  	_ =	shalt  }
0x5a: {  	_ =	shalt  }
0x5b: {  	_ =	shalt  }
0x5c: {  	_ =	shalt  }
0x5d: {  	_ =	shalt  }
0x5e: {  	_ =	shalt  }
0x5f: {  	_ =	shalt  }
0x60: {  	_ =	shalt  }
0x61: {  	_ =	shalt  }
0x62: {  	_ =	shalt  }
0x63: {  	_ =	shalt  }
0x64: {  	_ =	shalt  }
0x65: {  	_ =	shalt  }
0x66: {  	_ =	shalt  }
0x67: {  	_ =	shalt  }
0x68: {  	_ =	shalt  }
0x69: {  	_ =	shalt  }
0x6a: {  	_ =	shalt  }
0x6b: {  	_ =	shalt  }
0x6c: {  	_ =	shalt  }
0x6d: {  	_ =	shalt  }
0x6e: {  	_ =	shalt  }
0x6f: {  	_ =	shalt  }
0x70: {  	_ =	shalt  }
0x71: {  	_ =	shalt  }
0x72: {  	_ =	shalt  }
0x73: {  	_ =	shalt  }
0x74: {  	_ =	shalt  }
0x75: {  	_ =	shalt  }
0x76: {  	_ =	shalt  }
0x77: {  	_ =	shalt  }
0x78: {  	_ =	shalt  }
0x79: {  	_ =	shalt  }
0x7a: {  	_ =	shalt  }
0x7b: {  	_ =	shalt  }
0x7c: {  	_ =	shalt  }
0x7d: {  	_ =	shalt  }
0x7e: {  	_ =	shalt  }
0x7f: {  	_ =	shalt  }
0x80: {  	_ =	shalt  }
0x81: {  	_ =	shalt  }
0x82: {  	_ =	shalt  }
0x83: {  	_ =	shalt  }
0x84: {  	_ =	shalt  }
0x85: {  	_ =	shalt  }
0x86: {  	_ =	shalt  }
0x87: {  	_ =	shalt  }
.Lfunc_end0:
.L_simem_size_0:
called_computation.1_lowered:
.L_overlay_start_0:
0x88: {  	s2 =	sld [smem:$0x3FD9]  }
0x89: {  	s3 =	sld [smem:$0x3FFE];
	_ =	sdelay $0x1  }
0x8a: {  	s1 =	srdreg.scid  }
0x8b: {  	s0 =	sand.u32 $0x1, s1  }
0x8c: {  	s17 =	sshll.u32 s0, $0xA;
	s2 =	sadd.s32 s3, s2  }
0x8d: {  	s2 =	sadd.s32 s2, s17  }
0x8e: {  	[smem:$0x3FC3] =	sst s2  }
0x8f: {  	_ = 	snop  }
0x90: {  	s18 =	sld [smem:$0x3FC8];
	(tm) =	ssettm $0x1  }
0x91: {  	s19 =	sld [smem:$0x3FFB];
	_ =	sdelay $0x3  }
0x92: {  	_ =	strace s19  }
0x93: {  	s2 =	sld [smem:$0x3FFC];
	_ =	sdelay $0x3  }
0x94: {  	_ =	strace s2  }
0x95: {  	s2 =	sld [smem:$0x3FFD];
	_ =	sdelay $0x3  }
0x96: {  	_ =	strace s2  }
0x97: {  	_ =	strace $0x8FFFFFFF  }
0x98: {  	s20 =	sld [smem:$0x3FDB];
	_ =	sdelay $0x1  }
0x99: {  	s4 =	simm.s32 $_scs_section_size  }
0x9a: {  	s5 =	simm.s32 $_size__tile_overlayer_lowered;
	s6 =	simm.s32 $_tile_overlayer_lowered  }
0x9b: {  	s7 =	simm.s32 $0x1BFF;
	s21 =	sshll.u32 s6, $0x1;
	s4 =	sadd.s32 s4, s20  }
0x9c: {  	s22 =	simm.s32 $0x0;
	s5 =	sshll.u32 s5, $0x1;
	s6 =	sadd.s32 s21, s4  }
0x9d: {  	[timem:s22], [sflag:s7] =	dma.local [hbm:s6], s5  }
0x9e: {  	_ =	swait.ge [sflag:s7], s5  }
0x9f: {  	s5 =	ssub.s32 $0x0, s5;
	[sflag:s7] =	ssyncset.done $0x0  }
0xa0: {  	[sflag:s7] =	ssyncadd.s32 s5;
	_ =	sdelay $0x1  }
0xa1: {  	s23 =	simm.s32 $0x1B8B  }
0xa2: {  	_ =	swait.ge [sflag:s23], $0x1  }
0xa3: {  	[sflag:s23] =	ssyncset.done $0x0  }
0xa4: {  	[sflag:s23] =	ssyncadd.s32 $0xFFFFFFFF  }
0xa5: {  	s5 =	sld [smem:$0x0]  }
0xa6: {  	s6 =	sand.u32 $0xFFFFFFFE, s1  }
0xa7: {  	p0 =	sne.s32 s1, s6  }
0xa8: {  	s6 =	sshll.u32 @p0 s6, $0xE  }
0xa9: {  	s6 =	sadd.s32 @p0 $0x11B8D, s6;
	s7 =	sshll.u32 @p0 s5, $0x11  }
0xaa: {  	s6 =	sor.u32 @p0 s7, s6  }
0xab: {  	[sflag:s6] =	ssyncadd.remote.s32 @p0 $0x1;
	_ =	sdelay $0x1  }
0xac: {  	s6 =	simm.s32 @p0 $0x1B8D  }
0xad: {  	_ =	swait.eq @p0 [sflag:s6], $0x1  }
0xae: {  	[sflag:s6] =	ssyncadd.s32 @p0 $0xFFFFFFFF  }
0xaf: {  	s7 =	sshll.u32 @!p0 s1, $0xE  }
0xb0: {  	s7 =	sor.u32 @!p0 $0x4000, s7;
	s6 =	simm.s32 @!p0 $0x1B8D  }
0xb1: {  	s5 =	sshll.u32 @!p0 s5, $0x11;
	s7 =	sadd.s32 @!p0 $0x11B8D, s7;
	_ =	swait.eq @!p0 [sflag:s6], $0x1  }
0xb2: {  	s5 =	sor.u32 @!p0 s5, s7;
	[sflag:s6] =	ssyncadd.s32 @!p0 $0xFFFFFFFF  }
0xb3: {  	s25 =	simm.s32 $0x1B8E;
	s24 =	sld [smem:$0x3FFE];
	[sflag:s5] =	ssyncadd.remote.s32 @!p0 $0x1  }
0xb4: {  	s26 =	simm.s32 $execute0_lowered;
	[smem:$0x3FD2] =	sst s25  }
0xb5: {  	s6 =	sshll.u32 s26, $0x1;
	_ =	strace $0x80000049;
	[dreg:$0x1] =	wrdreg $0xFFFFFFFF  }
0xb6: {  	s28 =	simm.s32 $_size_execute0_lowered;
	s4 =	sadd.s32 s4, s6;
	[dreg:$0x0] =	wrdreg $0x0  }
0xb7: {  	s6 =	sshll.u32 s28, $0x1;
	[dreg:$0x2] =	wrdreg s4  }
0xb8: {  	[dreg:$0x3] =	wrdreg s6  }
0xb9: {  	[dreg:$0x4] =	wrdreg $0xC0  }
0xba: {  	_ =	task [dreg:s22], $0x5FFFF  }
0xbb: {  	[dreg:$0x1] =	wrdreg $0xFFFFFFFF  }
0xbc: {  	[dreg:$0x0] =	wrdreg $0x60  }
0xbd: {  	[dreg:$0x2] =	wrdreg s18  }
0xbe: {  	[dreg:$0x3] =	wrdreg s24  }
0xbf: {  	[dreg:$0x4] =	wrdreg $0x41000  }
0xc0: {  	[dreg:$0x5] =	wrdreg $0xA  }
0xc1: {  	_ =	task.clear_ibuf [dreg:s22], $0x6FFFF;
	_ =	strace $0x90000049  }
0xc2: {  	s29 =	simm.s32 $0xA;
	_ =	strace $0x8000004B  }
0xc3: {  	_ =	swait.ge [sflag:s29], $0x1  }
0xc4: {  	[sflag:s29] =	ssyncadd.s32 $0xFFFFFFFF  }
0xc5: {  	_ =	strace $0x9000004B  }
0xc6: {  	_ =	sfence  }
0xc7: {  	s30 =	sld [smem:$0x0];
	_ =	sdelay $0x2  }
0xc8: {  	s31 =	sshll.u32 s1, $0xD;
	s1 =	sshrl.u32 s1, $0x2  }
0xc9: {  	s4 =	sand.u32 $0x4000, s31;
	s1 =	sadd.s32 s1, s30  }
0xca: {  	s0 =	sor.u32 s4, s0;
	s1 =	sshll.u32 s1, $0x11  }
0xcb: {  	s0 =	sor.u32 s1, s0  }
0xcc: {  	s0 =	sadd.s32 $0x8F2B, s0  }
0xcd: {  	[sflag:s0] =	ssyncadd.remote.s32 $0x1  }
0xce: {  	_ =	sfence.sel $0xFFFF  }
0xcf: {  	[dreg:$0x0] =	wrdreg $0xFFFFFFFF;
	(pc) =	sbr.abs _section_cstart, $3  }
0xd0: {  	[dreg:$0x1] =	wrdreg $0xFFFFFFFF  }
0xd1: {  	_ =	task.clear_ibuf [dreg:s22], $0x2FFFF;
	_ =	strace $0x9FFFFFFF  }
0xd2: {  	(tm) =	ssettm $0x7FFFFFFF  }
0xd3: {  	_ =	shalt  }
tec
execute0_lowered:
.L_overlay_start_1:
0x0: {  	(tag) =	ssettag $0x1  }
0x1: {  	s15 =	rddreg [dreg:$0x0]  }
0x2: {  	s5 =	rddreg [dreg:$0x1]  }
0x3: {  	s2 =	rddreg [dreg:$0x2]  }
0x4: {  	s0 =	srdreg.scid;
	s1 =	rddreg [dreg:$0x3]  }
0x5: {  	s3 =	simm.s32 $0x0;
	s19 =	simm.s32 $0x80;
	s14 =	sand.u32 $0x1, s0  }
0x6: {  	s20 =	simm.s32 $0x1;
	s0 =	stileid.u32;
	s4 =	smul.u32 $0x13C000, s14  }
0x7: {  	s21 =	simm.s32 $0x2;
	[smem:$0x7FF] =	sst s3;
	s6 =	smul.u32 $0x13C00, s0  }
0x8: {  	s26 =	smul.u32 $0x4F000, s0;
	_ =	strace $0x8000004A;
	s28 =	ssub.s32 $0x2, s14  }
0x9: {  	s7 =	sshll.u32 s14, $0x4;
	s18 =	sshll.u32 s14, $0x9;
	s31 =	sshll.u32 s0, $0x5  }
0xa: {  	s29 =	sshrl.u32 s28, $0x1;
	s22 =	sor.u32 s0, s7;
	s30 =	sadd.s32 s18, s15  }
0xb: {  	s18 =	simm.s32 $0x3;
	s4 =	sadd.s32 s6, s4;
	s6 =	sshrl.u32 s26, $0x2  }
0xc: {  	s16 =	ssub.s32 s28, s29;
	s9 =	sshll.u32 s22, $0x5;
	p0 =	sgt.u32 s22, $0x3  }
0xd: {  	s22 =	simm.s32 $0x0;
	s4 =	sshrl.u32 s4, $0x3;
	s17 =	sadd.s32 s9, s15  }
0xe: {  	s14 =	smax.u32 s16, $0x1;
	s16 =	sadd.s32 s31, s30;
	s13 =	sadd.s32 s4, s5  }
0xf: {  	s4 =	sadd.s32 s6, s2;
	s11 =	sadd.s32 $0x10, s17;
	s12 =	sadd.s32 $0x410, s17  }
0x10: {  	s15 =	sadd.s32 $0x13810, s17;
	s17 =	simm.s32 $0x100;
	s5 =	sadd.s32 $0x3400, s4  }
0x11: {  	s6 =	sadd.s32 $0x6800, s4;
	s7 =	sadd.s32 $0x9C00, s4;
	s8 =	sadd.s32 $0xD000, s4  }
0x12: {  	v0 =	vimm.f32 $0.0e+00;
	v1 =	vimm.f32 $1.000000000e+00;
	s9 =	sadd.s32 $0x10400, s4;
	s10 =	sadd.s32 $0x13800, s4;
	s13 =	sadd.s32 $0x50000, s13  }
.LBB2_1:
0x13: {  	s23 =	sand.u32 $0xFE00, s3  }
0x14: {  	s24 =	sand.u32 $0x70, s3;
	s25 =	sshrl.u32 s23, $0x2  }
0x15: {  	s23 =	simm.s32 $0x40;
	s25 =	sor.u32 s24, s25;
	s24 =	simm.s32 $0x0  }
.LBB2_2:
0x16: {  	p1 =	sne.s32 s23, $0xCFC0  }
0x17: {  	[tilespmem:s25+$0x100] =	vst v0;
	s24 =	sadd.s32 $0x10, s24;
	s25 =	smov.u32 s23;
	s23 =	sadd.s32 $0x40, s23  }
.Ltmp0:
0x18: {  	(pc) =	sbr.rel @p1 .LBB2_2-.Ltmp0, $4  }
0x19: {  	_ = 	snop  }
0x1a: {  	s25 =	sand.u32 $0xFE00, s25  }
0x1b: {  	s26 =	sand.u32 $0x70, s24;
	s25 =	sshrl.u32 s25, $0x2  }
0x1c: {  	s25 =	sor.u32 s26, s25  }
0x1d: {  	[tilespmem:s25+$0x100] =	vst v0  }
0x1e: {  	[spmem:s4] =	stream.linear.scatter [tilespmem:s17], [sflag:$0x3], $0x3400, $0x38;
	[tilespmem:$0x17D00] =	vst v63  }
0x1f: {  	_ =	swait.ge [sflag:s18], $0x3400  }
0x20: {  	[sflag:s18] =	ssyncset.done $0x0  }
0x21: {  	[sflag:s18] =	ssyncadd.s32 $0xFFFFCC00  }
0x22: {  	[spmem:s5] =	stream.linear.scatter [tilespmem:s17], [sflag:$0x3], $0x3400, $0x38;
	[tilespmem:$0x17D00] =	vst v63  }
0x23: {  	_ =	swait.ge [sflag:s18], $0x3400  }
0x24: {  	[sflag:s18] =	ssyncset.done $0x0  }
0x25: {  	[sflag:s18] =	ssyncadd.s32 $0xFFFFCC00  }
0x26: {  	[spmem:s6] =	stream.linear.scatter [tilespmem:s17], [sflag:$0x3], $0x3400, $0x38;
	[tilespmem:$0x17D00] =	vst v63  }
0x27: {  	_ =	swait.ge [sflag:s18], $0x3400  }
0x28: {  	[sflag:s18] =	ssyncset.done $0x0  }
0x29: {  	[sflag:s18] =	ssyncadd.s32 $0xFFFFCC00  }
0x2a: {  	[spmem:s7] =	stream.linear.scatter [tilespmem:s17], [sflag:$0x3], $0x3400, $0x38;
	[tilespmem:$0x17D00] =	vst v63  }
0x2b: {  	_ =	swait.ge [sflag:s18], $0x3400  }
0x2c: {  	[sflag:s18] =	ssyncset.done $0x0  }
0x2d: {  	[sflag:s18] =	ssyncadd.s32 $0xFFFFCC00  }
0x2e: {  	[spmem:s8] =	stream.linear.scatter [tilespmem:s17], [sflag:$0x3], $0x3400, $0x38;
	[tilespmem:$0x17D00] =	vst v63  }
0x2f: {  	_ =	swait.ge [sflag:s18], $0x3400  }
0x30: {  	[sflag:s18] =	ssyncset.done $0x0  }
0x31: {  	[sflag:s18] =	ssyncadd.s32 $0xFFFFCC00  }
0x32: {  	[spmem:s9] =	stream.linear.scatter [tilespmem:s17], [sflag:$0x3], $0x3400, $0x38;
	[tilespmem:$0x17D00] =	vst v63  }
0x33: {  	_ =	swait.ge [sflag:s18], $0x3400  }
0x34: {  	[sflag:s18] =	ssyncset.done $0x0  }
0x35: {  	s23 =	simm.s32 $0x0;
	[sflag:s18] =	ssyncadd.s32 $0xFFFFCC00  }
0x36: {  	[spmem:s10] =	stream.linear.scatter [tilespmem:s17], [sflag:$0x3], $0x400, $0x38;
	[tilespmem:$0x17D00] =	vst v63  }
0x37: {  	s24 =	sand.u32 $0xFE00, s23;
	_ =	swait.ge [sflag:s18], $0x400  }
0x38: {  	s31 =	sand.u32 $0x70, s23;
	s26 =	sshrl.u32 s24, $0x2;
	[sflag:s18] =	ssyncset.done $0x0  }
0x39: {  	s24 =	simm.s32 $0x40;
	s25 =	sor.u32 s31, s26;
	[sflag:s18] =	ssyncadd.s32 $0xFFFFFC00  }
.LBB2_4:
0x3a: {  	p1 =	sne.s32 s24, $0xFFC0  }
0x3b: {  	[tilespmem:s25+$0x100] =	vst v1;
	s23 =	sadd.s32 $0x10, s23;
	s25 =	smov.u32 s24;
	s24 =	sadd.s32 $0x40, s24  }
.Ltmp1:
0x3c: {  	(pc) =	sbr.rel @p1 .LBB2_4-.Ltmp1, $4  }
0x3d: {  	_ = 	snop  }
0x3e: {  	s25 =	sand.u32 $0xFE00, s25  }
0x3f: {  	s26 =	sand.u32 $0x70, s23;
	s25 =	sshrl.u32 s25, $0x2  }
0x40: {  	s25 =	sor.u32 s26, s25  }
0x41: {  	[tilespmem:s25+$0x100] =	vst v1  }
0x42: {  	[bflag:$0x0] =	sbarrier.arrive $0xFFFF  }
0x43: {  	[tilespmem:s3], [sflag:$0x1] =	stream.linear.gather [hbm4b:s11+s3], $0x80, $0x38;
	[tilespmem:$0x17D00] =	vst v63  }
0x44: {  	_ = 	snop  }
0x45: {  	[tilespmem:s19], [sflag:$0x2] =	stream.linear.gather [hbm4b:s12+s3], $0x80, $0x38;
	[tilespmem:$0x17D00] =	vst v63  }
0x46: {  	_ =	swait.ge [sflag:s20], $0x80  }
0x47: {  	[sflag:s20] =	ssyncset.done $0x0  }
0x48: {  	[sflag:s20] =	ssyncadd.s32 $0xFFFFFF80  }
0x49: {  	[spmem:s2] =	stream.indirect.scatter.add.f32 [tilespmem:s17], [sflag:$0x3], $0x80, s3, s19, $0xb8;
	[tilespmem:$0x17D00] =	vst v63  }
0x4a: {  	_ =	swait.ge [sflag:s18], $0x4000  }
0x4b: {  	s24 =	sadd.s32 $0xFFFED000, s16;
	[sflag:s18] =	ssyncset.done $0x0  }
0x4c: {  	s23 =	sadd.s32 $0x13810, s24;
	[sflag:s18] =	ssyncadd.s32 $0xFFFFC000  }
0x4d: {  	[tilespmem:s3], [sflag:$0x1] =	stream.linear.gather [hbm4b:s23+s3], $0x80, $0x38;
	[tilespmem:$0x17D00] =	vst v63  }
0x4e: {  	_ =	swait.ge [sflag:s21], $0x80  }
0x4f: {  	[sflag:s21] =	ssyncset.done $0x0  }
0x50: {  	[sflag:s21] =	ssyncadd.s32 $0xFFFFFF80  }
0x51: {  	[spmem:s2] =	stream.indirect.scatter.add.f32 [tilespmem:s17], [sflag:$0x3], $0x80, s19, s19, $0xb8;
	[tilespmem:$0x17D00] =	vst v63  }
0x52: {  	_ =	swait.ge [sflag:s18], $0x4000  }
0x53: {  	[sflag:s18] =	ssyncset.done $0x0  }
0x54: {  	s24 =	sadd.s32 $0x13C10, s24;
	s23 =	simm.s32 $0xFFFED800;
	[sflag:s18] =	ssyncadd.s32 $0xFFFFC000  }
.LBB2_6:
0x55: {  	[tilespmem:s19], [sflag:$0x2] =	stream.linear.gather [hbm4b:s24+s3], $0x80, $0x38;
	[tilespmem:$0x17D00] =	vst v63  }
0x56: {  	s24 =	smov.u32 s23  }
0x57: {  	p1 =	sne.s32 s23, $0xFFFFF800;
	s23 =	sadd.s32 $0x800, s23;
	_ =	swait.ge [sflag:s20], $0x80  }
0x58: {  	[sflag:s20] =	ssyncset.done $0x0  }
0x59: {  	[sflag:s20] =	ssyncadd.s32 $0xFFFFFF80  }
0x5a: {  	[spmem:s2] =	stream.indirect.scatter.add.f32 [tilespmem:s17], [sflag:$0x3], $0x80, s3, s19, $0xb8;
	[tilespmem:$0x17D00] =	vst v63  }
0x5b: {  	_ =	swait.ge [sflag:s18], $0x4000  }
0x5c: {  	s24 =	sadd.s32 s24, s16;
	[sflag:s18] =	ssyncset.done $0x0  }
0x5d: {  	s25 =	sadd.s32 $0x13810, s24;
	[sflag:s18] =	ssyncadd.s32 $0xFFFFC000  }
0x5e: {  	[tilespmem:s3], [sflag:$0x1] =	stream.linear.gather [hbm4b:s25+s3], $0x80, $0x38;
	[tilespmem:$0x17D00] =	vst v63  }
0x5f: {  	_ =	swait.ge [sflag:s21], $0x80  }
0x60: {  	[sflag:s21] =	ssyncset.done $0x0  }
.Ltmp2:
0x61: {  	[sflag:s21] =	ssyncadd.s32 $0xFFFFFF80;
	(pc) =	sbr.rel @p1 .LBB2_6-.Ltmp2, $4  }
0x62: {  	[spmem:s2] =	stream.indirect.scatter.add.f32 [tilespmem:s17], [sflag:$0x3], $0x80, s19, s19, $0xb8;
	[tilespmem:$0x17D00] =	vst v63  }
0x63: {  	_ =	swait.ge [sflag:s18], $0x4000  }
0x64: {  	[sflag:s18] =	ssyncset.done $0x0  }
0x65: {  	s24 =	sadd.s32 $0x13C10, s24;
	[sflag:s18] =	ssyncadd.s32 $0xFFFFC000  }
0x66: {  	[tilespmem:s19], [sflag:$0x2] =	stream.linear.gather [hbm4b:s24+s3], $0x80, $0x38;
	[tilespmem:$0x17D00] =	vst v63  }
0x67: {  	_ =	swait.ge [sflag:s20], $0x80  }
0x68: {  	[sflag:s20] =	ssyncset.done $0x0  }
0x69: {  	[sflag:s20] =	ssyncadd.s32 $0xFFFFFF80  }
0x6a: {  	[spmem:s2] =	stream.indirect.scatter.add.f32 [tilespmem:s17], [sflag:$0x3], $0x80, s3, s19, $0xb8;
	[tilespmem:$0x17D00] =	vst v63  }
0x6b: {  	_ =	swait.ge [sflag:s18], $0x4000  }
0x6c: {  	[sflag:s18] =	ssyncset.done $0x0  }
0x6d: {  	s23 =	simm.s32 @!p0 $0x0;
	s24 =	simm.s32 @!p0 $0x2;
	[sflag:s18] =	ssyncadd.s32 $0xFFFFC000  }
0x6e: {  	[tilespmem:s23], [sflag:$0x1] =	stream.linear.gather @!p0 [hbm4b:s15+s23], $0x80, $0x38;
	[tilespmem:$0x17D00] =	vst v63  }
0x6f: {  	_ =	swait.ge @!p0 [sflag:s24], $0x80  }
0x70: {  	[sflag:s24] =	ssyncset.done @!p0 $0x0  }
0x71: {  	s25 =	simm.s32 @!p0 $0x100;
	[sflag:s24] =	ssyncadd.s32 @!p0 $0xFFFFFF80;
	s24 =	simm.s32 @!p0 $0x80  }
0x72: {  	[spmem:s2] =	stream.indirect.scatter.add.f32 @!p0 [tilespmem:s25], [sflag:$0x3], $0x80, s24, s24, $0xb8;
	[tilespmem:$0x17D00] =	vst v63  }
0x73: {  	s24 =	simm.s32 @!p0 $0x3  }
0x74: {  	_ =	swait.ge @!p0 [sflag:s24], $0x4000  }
0x75: {  	s25 =	simm.s32 @!p0 $0x1;
	[sflag:s24] =	ssyncset.done @!p0 $0x0  }
0x76: {  	s25 =	simm.s32 @p0 $0x2;
	[sflag:s24] =	ssyncadd.s32 @!p0 $0xFFFFC000  }
0x77: {  	_ =	swait.ge [sflag:s25], $0x80  }
0x78: {  	[sflag:s25] =	ssyncset.done $0x0  }
0x79: {  	s23 =	simm.s32 @p0 $0x80;
	[sflag:s25] =	ssyncadd.s32 $0xFFFFFF80  }
0x7a: {  	[spmem:s2] =	stream.indirect.scatter.add.f32 [tilespmem:s17], [sflag:$0x3], $0x80, s23, s19, $0xb8;
	[tilespmem:$0x17D00] =	vst v63  }
0x7b: {  	_ =	swait.ge [sflag:s18], $0x4000  }
0x7c: {  	s30 =	sshll.u32 s0, $0x6;
	s22 =	sadd.s32 $0x1, s22;
	[sflag:s18] =	ssyncset.done $0x0  }
0x7d: {  	s31 =	sshrl.u32 s4, $0x3;
	p1 =	sne.s32 s22, s14;
	[sflag:s18] =	ssyncadd.s32 $0xFFFFC000  }
.Ltmp3:
0x7e: {  	s23 =	sor.u32 $0x1C03, s30;
	[bflag:$0x0] =	sbarrier.arrive $0xFFFF;
	(pc) =	sbr.rel @p1 .LBB2_1-.Ltmp3, $4  }
0x7f: {  	[hbm:s13], [sflag:s23] =	dma.local [spmem:s31], $0x2780  }
0x80: {  	_ =	swait.ge [sflag:s18], $0x2780  }
0x81: {  	[sflag:s18] =	ssyncset.done $0x0  }
0x82: {  	[sflag:s18] =	ssyncadd.s32 $0xFFFFD880  }
0x83: {  	_ =	sfence.sel $0x180000  }
0x84: {  	[bflag:$0x0] =	sbarrier.arrive $0xFFFF  }
0x85: {  	p0 =	sne.s32 s0, $0x0;
	_ =	strace $0x9000004A  }
0x86: {  	s0 =	sadd.s32 @!p0 $0x100000, s1;
	[bflag:$0x2] =	sbarrier.arrive $0xFFFF  }
0x87: {  	[sflag:s0] =	ssyncadd.tile.s32 @!p0 $0x1;
	_ =	shalt  }
.Lfunc_end2:
_tile_overlayer_lowered:
.L_overlay_start_2:
0x88: {  	(tag) =	ssettag $0x2  }
0x89: {  	s0 =	rddreg [dreg:$0x0];
	s2 =	stileid.u32  }
0x8a: {  	s1 =	rddreg [dreg:$0x1];
	p0 =	sne.s32 s2, $0x0  }
0x8b: {  	s3 =	rddreg [dreg:$0x2];
	[bflag:$0x3] =	sbarrier.arrive $0xFFFF;
	s2 =	simm.s32 @!p0 $0x1C03  }
0x8c: {  	[timem:s3], [sflag:s2] =	dma.local @!p0 [hbm:s0], s1  }
0x8d: {  	s0 =	simm.s32 @!p0 $0x3  }
0x8e: {  	_ =	swait.ge @!p0 [sflag:s0], s1  }
0x8f: {  	s1 =	ssub.s32 @!p0 $0x0, s1;
	[sflag:s0] =	ssyncset.done @!p0 $0x0  }
0x90: {  	[sflag:s0] =	ssyncadd.s32 @!p0 s1  }
0x91: {  	[bflag:$0x3] =	sbarrier.arrive $0xFFFF  }
0x92: {  	_ =	shalt  }

</sc_bundles>
